<compile_context>
chip_gen: v7x
topology: tpu7x:2x2x1
jax: 0.10.2.dev20260603
libtpu: 0.0.44.dev20260713+nightly
codegen_flags: <defaults>
</compile_context>

<pallas_src>
import functools

import jax
import jax.numpy as jnp
from jax import lax
from jax.experimental import pallas as pl
from jax.experimental.pallas import tpu as pltpu
from jax.experimental.pallas import tpu_sc as plsc

_LANES = 16
_SP_ROWS = (0, 5, 10)


@functools.lru_cache(maxsize=None)
def _build_sc_embed(batch: int, seq: int, vocab: int, hidden: int):
    n_rows = batch * seq
    info = plsc.get_sparse_core_info()
    nc, ns = info.num_cores, info.num_subcores
    nw = nc * ns
    assert n_rows % (nw * _LANES) == 0 and (nw % batch == 0)
    rows_per_w = n_rows // nw
    w_per_b = nw // batch
    n_sp = len(_SP_ROWS)

    mesh = plsc.VectorSubcoreMesh(core_axis_name="c", subcore_axis_name="s")

    @functools.partial(
        pl.kernel,
        out_type=jax.ShapeDtypeStruct((n_rows, hidden), jnp.float32),
        mesh=mesh,
        scratch_types=[
            pltpu.VMEM((vocab, hidden), jnp.float32),
            pltpu.VMEM((rows_per_w,), jnp.int32),
            pltpu.VMEM_SHARED((vocab, hidden), jnp.float32),
            pltpu.SemaphoreType.DMA,
            pltpu.SemaphoreType.DMA,
            pltpu.SemaphoreType.DMA,
        ],
    )
    def embed(
        x_hbm, table_hbm, out_hbm, table_v, idx_v, table_sp, sem_in, sem_t, sem_s
    ):
        cid = lax.axis_index("c")
        sid = lax.axis_index("s")
        wid = sid * nc + cid
        base = wid * rows_per_w
        tab_cp = pltpu.make_async_copy(table_hbm, table_v, sem_in)
        idx_cp = pltpu.make_async_copy(
            x_hbm.at[wid // w_per_b, pl.ds((wid % w_per_b) * rows_per_w, rows_per_w)],
            idx_v,
            sem_in,
        )
        tab_cp.start()
        idx_cp.start()
        tab_cp.wait()
        idx_cp.wait()

        @pl.when(sid == 0)
        def _stage_shared():
            pltpu.sync_copy(table_v, table_sp)

        plsc.subcore_barrier()

        def body(g, carry):
            row0 = g * _LANES
            xv = idx_v[pl.ds(row0, _LANES)]
            for j in range(_LANES):
                if j in _SP_ROWS:
                    src, sem = table_sp.at[xv[j]], sem_s
                else:
                    src, sem = table_v.at[xv[j]], sem_t
                pltpu.make_async_copy(src, out_hbm.at[base + row0 + j], sem).start()
            return carry

        lax.fori_loop(0, rows_per_w // _LANES, body, 0)

        sp_rows_total = (rows_per_w // _LANES) * n_sp
        pltpu.make_async_copy(
            out_hbm.at[pl.ds(base, sp_rows_total)],
            out_hbm.at[pl.ds(base, sp_rows_total)],
            sem_s,
        ).wait()
        pltpu.make_async_copy(
            out_hbm.at[pl.ds(base, rows_per_w - sp_rows_total)],
            out_hbm.at[pl.ds(base, rows_per_w - sp_rows_total)],
            sem_t,
        ).wait()

    return embed


def kernel(x, table):
    b, s = x.shape
    xf = x.astype(jnp.int32)
    out_flat = _build_sc_embed(b, s, table.shape[0], table.shape[1])(xf, table)
    return out_flat.reshape(b, s, table.shape[1])

# --- scband reference (transcript-rebuilt; emitter-appended) ---
"""Pipeline reference for scband-segment-embedding-71459665871167 (READ-ONLY COPY).

The authoritative reference and input builder live on the scoring server;
editing this copy changes nothing except your own understanding.
"""

import jax, jax.numpy as jnp
import numpy as np

TYPE_VOCAB_SIZE = 2
HIDDEN_SIZE = 1024
BATCH = 4
SEQ_LEN = 8192


def setup_inputs(seed: int = 0) -> dict:
    key = jax.random.key(seed)
    k_idx, k_tab = jax.random.split(key)
    x = jax.random.randint(k_idx, (BATCH, SEQ_LEN), 0, TYPE_VOCAB_SIZE, dtype=jnp.int64 if jax.config.jax_enable_x64 else jnp.int32)
    table = jax.random.normal(k_tab, (TYPE_VOCAB_SIZE, HIDDEN_SIZE), dtype=jnp.float32)
    return {"x": x, "table": table}


def reference(x, table):
    # nn.Embedding forward: gather rows of the table by index
    return jnp.take(table, x, axis=0)

if __name__ == "__main__":
    import jax
    _d = setup_inputs()
    print(jax.jit(kernel)(*tuple(_d.values())))

</pallas_src>

<mosaic_0001>
#map = affine_map<(d0, d1) -> (0, 0)>
module attributes {stable_mosaic.version = 14 : i64} {
  func.func @embed(%arg0: i32, %arg1: i32, %arg2: memref<4x8192xi32, #tpu.memory_space<hbm>>, %arg3: memref<2x1024xf32, #tpu.memory_space<hbm>>, %arg4: memref<32768x1024xf32, #tpu.memory_space<hbm>>, %arg5: memref<2x1024xf32, #tpu.memory_space<vmem>>, %arg6: memref<1024xi32, #tpu.memory_space<vmem>>, %arg7: memref<2x1024xf32, #tpu.memory_space<vmem_shared>>, %arg8: memref<!tpu.dma_semaphore, #tpu.memory_space<semaphore_mem>>, %arg9: memref<!tpu.dma_semaphore, #tpu.memory_space<semaphore_mem>>, %arg10: memref<!tpu.dma_semaphore, #tpu.memory_space<semaphore_mem>>) attributes {dimension_semantics = [#tpu.dimension_semantics<core_parallel>, #tpu.dimension_semantics<subcore_parallel>], iteration_bounds = array<i64: 2, 16>, scalar_prefetch = 0 : i64, scratch_operands = 6 : i64, tpu.core_type = #tpu.core_type<sc_vector_subcore>, window_params = [{transform_indices = #map}, {transform_indices = #map}, {transform_indices = #map}]} {
    %mul3A = arith.constant 2 : i32
    %mul3A_0 = arith.muli %arg1, %mul3A : i32
    %add3A = arith.addi %mul3A_0, %arg0 : i32
    %mul3A_1 = arith.constant 1024 : i32
    %mul3A_2 = arith.muli %add3A, %mul3A_1 : i32
    %jit3A = arith.constant 8 : i32
    %div3A = arith.divsi %add3A, %jit3A : i32
    %sign3A = arith.constant 0 : i32
    %sign3A_3 = arith.cmpi sgt, %add3A, %sign3A : i32
    %sign3A_4 = arith.extui %sign3A_3 : i1 to i32
    %sign3A_5 = arith.constant 0 : i32
    %sign3A_6 = arith.cmpi slt, %add3A, %sign3A_5 : i32
    %sign3A_7 = arith.extui %sign3A_6 : i1 to i32
    %sign3A_8 = arith.subi %sign3A_4, %sign3A_7 : i32
    %sign3A_9 = arith.constant 0 : i32
    %sign3A_10 = arith.cmpi sgt, %jit3A, %sign3A_9 : i32
    %sign3A_11 = arith.extui %sign3A_10 : i1 to i32
    %sign3A_12 = arith.constant 0 : i32
    %sign3A_13 = arith.cmpi slt, %jit3A, %sign3A_12 : i32
    %sign3A_14 = arith.extui %sign3A_13 : i1 to i32
    %sign3A_15 = arith.subi %sign3A_11, %sign3A_14 : i32
    %ne3A = arith.cmpi ne, %sign3A_8, %sign3A_15 : i32
    %rem3A = arith.remsi %add3A, %jit3A : i32
    %ne3A_16 = arith.constant 0 : i32
    %ne3A_17 = arith.cmpi ne, %rem3A, %ne3A_16 : i32
    %and3A = arith.andi %ne3A, %ne3A_17 : i1
    %sub3A = arith.constant 1 : i32
    %sub3A_18 = arith.subi %div3A, %sub3A : i32
    %select_n3A = arith.select %and3A, %sub3A_18, %div3A : i32
    %jit3A_19 = arith.constant 8 : i32
    %eq3A = arith.constant 0 : i32
    %eq3A_20 = arith.cmpi eq, %jit3A_19, %eq3A : i32
    %jit3A_21 = arith.constant 1 : i32
    %select_n3A_22 = arith.select %eq3A_20, %jit3A_21, %jit3A_19 : i32
    %rem3A_23 = arith.remsi %add3A, %select_n3A_22 : i32
    %ne3A_24 = arith.constant 0 : i32
    %ne3A_25 = arith.cmpi ne, %rem3A_23, %ne3A_24 : i32
    %lt3A = arith.constant 0 : i32
    %lt3A_26 = arith.cmpi slt, %rem3A_23, %lt3A : i32
    %lt3A_27 = arith.constant 0 : i32
    %lt3A_28 = arith.cmpi slt, %select_n3A_22, %lt3A_27 : i32
    %ne3A_29 = arith.xori %lt3A_26, %lt3A_28 : i1
    %and3A_30 = arith.andi %ne3A_29, %ne3A_25 : i1
    %add3A_31 = arith.addi %rem3A_23, %select_n3A_22 : i32
    %select_n3A_32 = arith.select %and3A_30, %add3A_31, %rem3A_23 : i32
    %mul3A_33 = arith.constant 1024 : i32
    %mul3A_34 = arith.muli %select_n3A_32, %mul3A_33 : i32
    tpu.enqueue_dma source(%arg3 : memref<2x1024xf32, #tpu.memory_space<hbm>>) target(%arg5 : memref<2x1024xf32, #tpu.memory_space<vmem>>) target_semaphore(%arg8 : memref<!tpu.dma_semaphore, #tpu.memory_space<semaphore_mem>>)
    %dma_start3A = tpu.memref_slice %arg2[%select_n3A, %mul3A_34] : memref<4x8192xi32, #tpu.memory_space<hbm>> -> memref<1x1024xi32, #tpu.memory_space<hbm>>
    %dma_start3A_35 = tpu.memref_squeeze %dma_start3A : memref<1x1024xi32, #tpu.memory_space<hbm>> -> memref<1024xi32, #tpu.memory_space<hbm>>
    %dma_start3A_36 = tpu.memref_slice %arg2[%select_n3A, %mul3A_34] : memref<4x8192xi32, #tpu.memory_space<hbm>> -> memref<1x1024xi32, #tpu.memory_space<hbm>>
    %dma_start3A_37 = tpu.memref_squeeze %dma_start3A_36 : memref<1x1024xi32, #tpu.memory_space<hbm>> -> memref<1024xi32, #tpu.memory_space<hbm>>
    tpu.enqueue_dma source(%dma_start3A_37 : memref<1024xi32, #tpu.memory_space<hbm>>) target(%arg6 : memref<1024xi32, #tpu.memory_space<vmem>>) target_semaphore(%arg8 : memref<!tpu.dma_semaphore, #tpu.memory_space<semaphore_mem>>)
    tpu.wait_dma2 semaphore(%arg8 : memref<!tpu.dma_semaphore, #tpu.memory_space<semaphore_mem>>) src(%arg3 : memref<2x1024xf32, #tpu.memory_space<hbm>>) dst(%arg5 : memref<2x1024xf32, #tpu.memory_space<vmem>>)
    %dma_wait3A = tpu.memref_slice %arg2[%select_n3A, %mul3A_34] : memref<4x8192xi32, #tpu.memory_space<hbm>> -> memref<1x1024xi32, #tpu.memory_space<hbm>>
    %dma_wait3A_38 = tpu.memref_squeeze %dma_wait3A : memref<1x1024xi32, #tpu.memory_space<hbm>> -> memref<1024xi32, #tpu.memory_space<hbm>>
    %dma_wait3A_39 = tpu.memref_slice %arg2[%select_n3A, %mul3A_34] : memref<4x8192xi32, #tpu.memory_space<hbm>> -> memref<1x1024xi32, #tpu.memory_space<hbm>>
    %dma_wait3A_40 = tpu.memref_squeeze %dma_wait3A_39 : memref<1x1024xi32, #tpu.memory_space<hbm>> -> memref<1024xi32, #tpu.memory_space<hbm>>
    tpu.wait_dma2 semaphore(%arg8 : memref<!tpu.dma_semaphore, #tpu.memory_space<semaphore_mem>>) src(%dma_wait3A_40 : memref<1024xi32, #tpu.memory_space<hbm>>) dst(%arg6 : memref<1024xi32, #tpu.memory_space<vmem>>)
    %eq3A_41 = arith.constant 0 : i32
    %eq3A_42 = arith.cmpi eq, %arg1, %eq3A_41 : i32
    %convert_element_type3A = arith.extui %eq3A_42 : i1 to i32
    %cond3A = arith.constant 0 : i32
    %cond3A_43 = arith.cmpi ne, %convert_element_type3A, %cond3A : i32
    scf.if %cond3A_43 {
      "tpu.region"() ({
        %run_scoped3A = tpu.sem_alloc : memref<!tpu.dma_semaphore, #tpu.memory_space<semaphore_mem>>
        tpu.enqueue_dma source(%arg5 : memref<2x1024xf32, #tpu.memory_space<vmem>>) target(%arg7 : memref<2x1024xf32, #tpu.memory_space<vmem_shared>>) target_semaphore(%run_scoped3A : memref<!tpu.dma_semaphore, #tpu.memory_space<semaphore_mem>>)
        tpu.wait_dma2 semaphore(%run_scoped3A : memref<!tpu.dma_semaphore, #tpu.memory_space<semaphore_mem>>) src(%arg5 : memref<2x1024xf32, #tpu.memory_space<vmem>>) dst(%arg7 : memref<2x1024xf32, #tpu.memory_space<vmem_shared>>)
        tpu.yield
      }) : () -> ()
    } else {
    }
    %barrier3A = arith.constant 0 : index
    tpu.barrier barrier_id(%barrier3A)
    %scan3A = arith.constant 0 : i32
    %scan3A_44 = arith.constant 0 : i32
    %scan3A_45 = arith.constant 64 : i32
    %scan3A_46 = arith.addi %scan3A_44, %scan3A_45 : i32
    %scan3A_47 = arith.constant 1 : i32
    scf.for %scan3A_57 = %scan3A_44 to %scan3A_46 step %scan3A_47  : i32 {
      %mul3A_58 = arith.constant 16 : i32
      %mul3A_59 = arith.muli %scan3A_57, %mul3A_58 : i32
      %get3A = arith.index_cast %mul3A_59 : i32 to index
      %get3A_60 = tpu.vector_load %arg6[%get3A] {strides = array<i32>} : memref<1024xi32, #tpu.memory_space<vmem>>, vector<16xi32>,
      %get3A_61 = vector.shape_cast %get3A_60 : vector<16xi32> to vector<16xi32>
      %slice3A = vector.extract_strided_slice %get3A_61 {offsets = [0], sizes = [1], strides = [1]} : vector<16xi32> to vector<1xi32>
      %squeeze3A = vector.extract %slice3A[0] : i32 from vector<1xi32>
      %add3A_62 = arith.addi %mul3A_2, %mul3A_59 : i32
      %add3A_63 = arith.constant 0 : i32
      %add3A_64 = arith.addi %add3A_62, %add3A_63 : i32
      %dma_start3A_65 = arith.constant 0 : i32
      %dma_start3A_66 = tpu.memref_slice %arg4[%add3A_64, %dma_start3A_65] : memref<32768x1024xf32, #tpu.memory_space<hbm>> -> memref<1x1024xf32, #tpu.memory_space<hbm>>
      %dma_start3A_67 = tpu.memref_squeeze %dma_start3A_66 : memref<1x1024xf32, #tpu.memory_space<hbm>> -> memref<1024xf32, #tpu.memory_space<hbm>>
      %dma_start3A_68 = arith.constant 0 : i32
      %dma_start3A_69 = tpu.memref_slice %arg7[%squeeze3A, %dma_start3A_68] : memref<2x1024xf32, #tpu.memory_space<vmem_shared>> -> memref<1x1024xf32, #tpu.memory_space<vmem_shared>>
      %dma_start3A_70 = tpu.memref_squeeze %dma_start3A_69 : memref<1x1024xf32, #tpu.memory_space<vmem_shared>> -> memref<1024xf32, #tpu.memory_space<vmem_shared>>
      tpu.enqueue_dma source(%dma_start3A_70 : memref<1024xf32, #tpu.memory_space<vmem_shared>>) target(%dma_start3A_67 : memref<1024xf32, #tpu.memory_space<hbm>>) target_semaphore(%arg10 : memref<!tpu.dma_semaphore, #tpu.memory_space<semaphore_mem>>)
      %slice3A_71 = vector.extract_strided_slice %get3A_61 {offsets = [1], sizes = [1], strides = [1]} : vector<16xi32> to vector<1xi32>
      %squeeze3A_72 = vector.extract %slice3A_71[0] : i32 from vector<1xi32>
      %add3A_73 = arith.addi %mul3A_2, %mul3A_59 : i32
      %add3A_74 = arith.constant 1 : i32
      %add3A_75 = arith.addi %add3A_73, %add3A_74 : i32
      %dma_start3A_76 = arith.constant 0 : i32
      %dma_start3A_77 = tpu.memref_slice %arg5[%squeeze3A_72, %dma_start3A_76] : memref<2x1024xf32, #tpu.memory_space<vmem>> -> memref<1x1024xf32, #tpu.memory_space<vmem>>
      %dma_start3A_78 = tpu.memref_squeeze %dma_start3A_77 : memref<1x1024xf32, #tpu.memory_space<vmem>> -> memref<1024xf32, #tpu.memory_space<vmem>>
      %dma_start3A_79 = arith.constant 0 : i32
      %dma_start3A_80 = tpu.memref_slice %arg4[%add3A_75, %dma_start3A_79] : memref<32768x1024xf32, #tpu.memory_space<hbm>> -> memref<1x1024xf32, #tpu.memory_space<hbm>>
      %dma_start3A_81 = tpu.memref_squeeze %dma_start3A_80 : memref<1x1024xf32, #tpu.memory_space<hbm>> -> memref<1024xf32, #tpu.memory_space<hbm>>
      %dma_start3A_82 = arith.constant 0 : i32
      %dma_start3A_83 = tpu.memref_slice %arg4[%add3A_75, %dma_start3A_82] : memref<32768x1024xf32, #tpu.memory_space<hbm>> -> memref<1x1024xf32, #tpu.memory_space<hbm>>
      %dma_start3A_84 = tpu.memref_squeeze %dma_start3A_83 : memref<1x1024xf32, #tpu.memory_space<hbm>> -> memref<1024xf32, #tpu.memory_space<hbm>>
      %dma_start3A_85 = arith.constant 0 : i32
      %dma_start3A_86 = tpu.memref_slice %arg5[%squeeze3A_72, %dma_start3A_85] : memref<2x1024xf32, #tpu.memory_space<vmem>> -> memref<1x1024xf32, #tpu.memory_space<vmem>>
      %dma_start3A_87 = tpu.memref_squeeze %dma_start3A_86 : memref<1x1024xf32, #tpu.memory_space<vmem>> -> memref<1024xf32, #tpu.memory_space<vmem>>
      tpu.enqueue_dma source(%dma_start3A_87 : memref<1024xf32, #tpu.memory_space<vmem>>) target(%dma_start3A_84 : memref<1024xf32, #tpu.memory_space<hbm>>) target_semaphore(%arg9 : memref<!tpu.dma_semaphore, #tpu.memory_space<semaphore_mem>>)
      %slice3A_88 = vector.extract_strided_slice %get3A_61 {offsets = [2], sizes = [1], strides = [1]} : vector<16xi32> to vector<1xi32>
      %squeeze3A_89 = vector.extract %slice3A_88[0] : i32 from vector<1xi32>
      %add3A_90 = arith.addi %mul3A_2, %mul3A_59 : i32
      %add3A_91 = arith.constant 2 : i32
      %add3A_92 = arith.addi %add3A_90, %add3A_91 : i32
      %dma_start3A_93 = arith.constant 0 : i32
      %dma_start3A_94 = tpu.memref_slice %arg5[%squeeze3A_89, %dma_start3A_93] : memref<2x1024xf32, #tpu.memory_space<vmem>> -> memref<1x1024xf32, #tpu.memory_space<vmem>>
      %dma_start3A_95 = tpu.memref_squeeze %dma_start3A_94 : memref<1x1024xf32, #tpu.memory_space<vmem>> -> memref<1024xf32, #tpu.memory_space<vmem>>
      %dma_start3A_96 = arith.constant 0 : i32
      %dma_start3A_97 = tpu.memref_slice %arg4[%add3A_92, %dma_start3A_96] : memref<32768x1024xf32, #tpu.memory_space<hbm>> -> memref<1x1024xf32, #tpu.memory_space<hbm>>
      %dma_start3A_98 = tpu.memref_squeeze %dma_start3A_97 : memref<1x1024xf32, #tpu.memory_space<hbm>> -> memref<1024xf32, #tpu.memory_space<hbm>>
      %dma_start3A_99 = arith.constant 0 : i32
      %dma_start3A_100 = tpu.memref_slice %arg4[%add3A_92, %dma_start3A_99] : memref<32768x1024xf32, #tpu.memory_space<hbm>> -> memref<1x1024xf32, #tpu.memory_space<hbm>>
      %dma_start3A_101 = tpu.memref_squeeze %dma_start3A_100 : memref<1x1024xf32, #tpu.memory_space<hbm>> -> memref<1024xf32, #tpu.memory_space<hbm>>
      %dma_start3A_102 = arith.constant 0 : i32
      %dma_start3A_103 = tpu.memref_slice %arg5[%squeeze3A_89, %dma_start3A_102] : memref<2x1024xf32, #tpu.memory_space<vmem>> -> memref<1x1024xf32, #tpu.memory_space<vmem>>
      %dma_start3A_104 = tpu.memref_squeeze %dma_start3A_103 : memref<1x1024xf32, #tpu.memory_space<vmem>> -> memref<1024xf32, #tpu.memory_space<vmem>>
      tpu.enqueue_dma source(%dma_start3A_104 : memref<1024xf32, #tpu.memory_space<vmem>>) target(%dma_start3A_101 : memref<1024xf32, #tpu.memory_space<hbm>>) target_semaphore(%arg9 : memref<!tpu.dma_semaphore, #tpu.memory_space<semaphore_mem>>)
      %slice3A_105 = vector.extract_strided_slice %get3A_61 {offsets = [3], sizes = [1], strides = [1]} : vector<16xi32> to vector<1xi32>
      %squeeze3A_106 = vector.extract %slice3A_105[0] : i32 from vector<1xi32>
      %add3A_107 = arith.addi %mul3A_2, %mul3A_59 : i32
      %add3A_108 = arith.constant 3 : i32
      %add3A_109 = arith.addi %add3A_107, %add3A_108 : i32
      %dma_start3A_110 = arith.constant 0 : i32
      %dma_start3A_111 = tpu.memref_slice %arg5[%squeeze3A_106, %dma_start3A_110] : memref<2x1024xf32, #tpu.memory_space<vmem>> -> memref<1x1024xf32, #tpu.memory_space<vmem>>
      %dma_start3A_112 = tpu.memref_squeeze %dma_start3A_111 : memref<1x1024xf32, #tpu.memory_space<vmem>> -> memref<1024xf32, #tpu.memory_space<vmem>>
      %dma_start3A_113 = arith.constant 0 : i32
      %dma_start3A_114 = tpu.memref_slice %arg4[%add3A_109, %dma_start3A_113] : memref<32768x1024xf32, #tpu.memory_space<hbm>> -> memref<1x1024xf32, #tpu.memory_space<hbm>>
      %dma_start3A_115 = tpu.memref_squeeze %dma_start3A_114 : memref<1x1024xf32, #tpu.memory_space<hbm>> -> memref<1024xf32, #tpu.memory_space<hbm>>
      %dma_start3A_116 = arith.constant 0 : i32
      %dma_start3A_117 = tpu.memref_slice %arg4[%add3A_109, %dma_start3A_116] : memref<32768x1024xf32, #tpu.memory_space<hbm>> -> memref<1x1024xf32, #tpu.memory_space<hbm>>
      %dma_start3A_118 = tpu.memref_squeeze %dma_start3A_117 : memref<1x1024xf32, #tpu.memory_space<hbm>> -> memref<1024xf32, #tpu.memory_space<hbm>>
      %dma_start3A_119 = arith.constant 0 : i32
      %dma_start3A_120 = tpu.memref_slice %arg5[%squeeze3A_106, %dma_start3A_119] : memref<2x1024xf32, #tpu.memory_space<vmem>> -> memref<1x1024xf32, #tpu.memory_space<vmem>>
      %dma_start3A_121 = tpu.memref_squeeze %dma_start3A_120 : memref<1x1024xf32, #tpu.memory_space<vmem>> -> memref<1024xf32, #tpu.memory_space<vmem>>
      tpu.enqueue_dma source(%dma_start3A_121 : memref<1024xf32, #tpu.memory_space<vmem>>) target(%dma_start3A_118 : memref<1024xf32, #tpu.memory_space<hbm>>) target_semaphore(%arg9 : memref<!tpu.dma_semaphore, #tpu.memory_space<semaphore_mem>>)
      %slice3A_122 = vector.extract_strided_slice %get3A_61 {offsets = [4], sizes = [1], strides = [1]} : vector<16xi32> to vector<1xi32>
      %squeeze3A_123 = vector.extract %slice3A_122[0] : i32 from vector<1xi32>
      %add3A_124 = arith.addi %mul3A_2, %mul3A_59 : i32
      %add3A_125 = arith.constant 4 : i32
      %add3A_126 = arith.addi %add3A_124, %add3A_125 : i32
      %dma_start3A_127 = arith.constant 0 : i32
      %dma_start3A_128 = tpu.memref_slice %arg5[%squeeze3A_123, %dma_start3A_127] : memref<2x1024xf32, #tpu.memory_space<vmem>> -> memref<1x1024xf32, #tpu.memory_space<vmem>>
      %dma_start3A_129 = tpu.memref_squeeze %dma_start3A_128 : memref<1x1024xf32, #tpu.memory_space<vmem>> -> memref<1024xf32, #tpu.memory_space<vmem>>
      %dma_start3A_130 = arith.constant 0 : i32
      %dma_start3A_131 = tpu.memref_slice %arg4[%add3A_126, %dma_start3A_130] : memref<32768x1024xf32, #tpu.memory_space<hbm>> -> memref<1x1024xf32, #tpu.memory_space<hbm>>
      %dma_start3A_132 = tpu.memref_squeeze %dma_start3A_131 : memref<1x1024xf32, #tpu.memory_space<hbm>> -> memref<1024xf32, #tpu.memory_space<hbm>>
      %dma_start3A_133 = arith.constant 0 : i32
      %dma_start3A_134 = tpu.memref_slice %arg4[%add3A_126, %dma_start3A_133] : memref<32768x1024xf32, #tpu.memory_space<hbm>> -> memref<1x1024xf32, #tpu.memory_space<hbm>>
      %dma_start3A_135 = tpu.memref_squeeze %dma_start3A_134 : memref<1x1024xf32, #tpu.memory_space<hbm>> -> memref<1024xf32, #tpu.memory_space<hbm>>
      %dma_start3A_136 = arith.constant 0 : i32
      %dma_start3A_137 = tpu.memref_slice %arg5[%squeeze3A_123, %dma_start3A_136] : memref<2x1024xf32, #tpu.memory_space<vmem>> -> memref<1x1024xf32, #tpu.memory_space<vmem>>
      %dma_start3A_138 = tpu.memref_squeeze %dma_start3A_137 : memref<1x1024xf32, #tpu.memory_space<vmem>> -> memref<1024xf32, #tpu.memory_space<vmem>>
      tpu.enqueue_dma source(%dma_start3A_138 : memref<1024xf32, #tpu.memory_space<vmem>>) target(%dma_start3A_135 : memref<1024xf32, #tpu.memory_space<hbm>>) target_semaphore(%arg9 : memref<!tpu.dma_semaphore, #tpu.memory_space<semaphore_mem>>)
      %slice3A_139 = vector.extract_strided_slice %get3A_61 {offsets = [5], sizes = [1], strides = [1]} : vector<16xi32> to vector<1xi32>
      %squeeze3A_140 = vector.extract %slice3A_139[0] : i32 from vector<1xi32>
      %add3A_141 = arith.addi %mul3A_2, %mul3A_59 : i32
      %add3A_142 = arith.constant 5 : i32
      %add3A_143 = arith.addi %add3A_141, %add3A_142 : i32
      %dma_start3A_144 = arith.constant 0 : i32
      %dma_start3A_145 = tpu.memref_slice %arg4[%add3A_143, %dma_start3A_144] : memref<32768x1024xf32, #tpu.memory_space<hbm>> -> memref<1x1024xf32, #tpu.memory_space<hbm>>
      %dma_start3A_146 = tpu.memref_squeeze %dma_start3A_145 : memref<1x1024xf32, #tpu.memory_space<hbm>> -> memref<1024xf32, #tpu.memory_space<hbm>>
      %dma_start3A_147 = arith.constant 0 : i32
      %dma_start3A_148 = tpu.memref_slice %arg7[%squeeze3A_140, %dma_start3A_147] : memref<2x1024xf32, #tpu.memory_space<vmem_shared>> -> memref<1x1024xf32, #tpu.memory_space<vmem_shared>>
      %dma_start3A_149 = tpu.memref_squeeze %dma_start3A_148 : memref<1x1024xf32, #tpu.memory_space<vmem_shared>> -> memref<1024xf32, #tpu.memory_space<vmem_shared>>
      tpu.enqueue_dma source(%dma_start3A_149 : memref<1024xf32, #tpu.memory_space<vmem_shared>>) target(%dma_start3A_146 : memref<1024xf32, #tpu.memory_space<hbm>>) target_semaphore(%arg10 : memref<!tpu.dma_semaphore, #tpu.memory_space<semaphore_mem>>)
      %slice3A_150 = vector.extract_strided_slice %get3A_61 {offsets = [6], sizes = [1], strides = [1]} : vector<16xi32> to vector<1xi32>
      %squeeze3A_151 = vector.extract %slice3A_150[0] : i32 from vector<1xi32>
      %add3A_152 = arith.addi %mul3A_2, %mul3A_59 : i32
      %add3A_153 = arith.constant 6 : i32
      %add3A_154 = arith.addi %add3A_152, %add3A_153 : i32
      %dma_start3A_155 = arith.constant 0 : i32
      %dma_start3A_156 = tpu.memref_slice %arg5[%squeeze3A_151, %dma_start3A_155] : memref<2x1024xf32, #tpu.memory_space<vmem>> -> memref<1x1024xf32, #tpu.memory_space<vmem>>
      %dma_start3A_157 = tpu.memref_squeeze %dma_start3A_156 : memref<1x1024xf32, #tpu.memory_space<vmem>> -> memref<1024xf32, #tpu.memory_space<vmem>>
      %dma_start3A_158 = arith.constant 0 : i32
      %dma_start3A_159 = tpu.memref_slice %arg4[%add3A_154, %dma_start3A_158] : memref<32768x1024xf32, #tpu.memory_space<hbm>> -> memref<1x1024xf32, #tpu.memory_space<hbm>>
      %dma_start3A_160 = tpu.memref_squeeze %dma_start3A_159 : memref<1x1024xf32, #tpu.memory_space<hbm>> -> memref<1024xf32, #tpu.memory_space<hbm>>
      %dma_start3A_161 = arith.constant 0 : i32
      %dma_start3A_162 = tpu.memref_slice %arg4[%add3A_154, %dma_start3A_161] : memref<32768x1024xf32, #tpu.memory_space<hbm>> -> memref<1x1024xf32, #tpu.memory_space<hbm>>
      %dma_start3A_163 = tpu.memref_squeeze %dma_start3A_162 : memref<1x1024xf32, #tpu.memory_space<hbm>> -> memref<1024xf32, #tpu.memory_space<hbm>>
      %dma_start3A_164 = arith.constant 0 : i32
      %dma_start3A_165 = tpu.memref_slice %arg5[%squeeze3A_151, %dma_start3A_164] : memref<2x1024xf32, #tpu.memory_space<vmem>> -> memref<1x1024xf32, #tpu.memory_space<vmem>>
      %dma_start3A_166 = tpu.memref_squeeze %dma_start3A_165 : memref<1x1024xf32, #tpu.memory_space<vmem>> -> memref<1024xf32, #tpu.memory_space<vmem>>
      tpu.enqueue_dma source(%dma_start3A_166 : memref<1024xf32, #tpu.memory_space<vmem>>) target(%dma_start3A_163 : memref<1024xf32, #tpu.memory_space<hbm>>) target_semaphore(%arg9 : memref<!tpu.dma_semaphore, #tpu.memory_space<semaphore_mem>>)
      %slice3A_167 = vector.extract_strided_slice %get3A_61 {offsets = [7], sizes = [1], strides = [1]} : vector<16xi32> to vector<1xi32>
      %squeeze3A_168 = vector.extract %slice3A_167[0] : i32 from vector<1xi32>
      %add3A_169 = arith.addi %mul3A_2, %mul3A_59 : i32
      %add3A_170 = arith.constant 7 : i32
      %add3A_171 = arith.addi %add3A_169, %add3A_170 : i32
      %dma_start3A_172 = arith.constant 0 : i32
      %dma_start3A_173 = tpu.memref_slice %arg5[%squeeze3A_168, %dma_start3A_172] : memref<2x1024xf32, #tpu.memory_space<vmem>> -> memref<1x1024xf32, #tpu.memory_space<vmem>>
      %dma_start3A_174 = tpu.memref_squeeze %dma_start3A_173 : memref<1x1024xf32, #tpu.memory_space<vmem>> -> memref<1024xf32, #tpu.memory_space<vmem>>
      %dma_start3A_175 = arith.constant 0 : i32
      %dma_start3A_176 = tpu.memref_slice %arg4[%add3A_171, %dma_start3A_175] : memref<32768x1024xf32, #tpu.memory_space<hbm>> -> memref<1x1024xf32, #tpu.memory_space<hbm>>
      %dma_start3A_177 = tpu.memref_squeeze %dma_start3A_176 : memref<1x1024xf32, #tpu.memory_space<hbm>> -> memref<1024xf32, #tpu.memory_space<hbm>>
      %dma_start3A_178 = arith.constant 0 : i32
      %dma_start3A_179 = tpu.memref_slice %arg4[%add3A_171, %dma_start3A_178] : memref<32768x1024xf32, #tpu.memory_space<hbm>> -> memref<1x1024xf32, #tpu.memory_space<hbm>>
      %dma_start3A_180 = tpu.memref_squeeze %dma_start3A_179 : memref<1x1024xf32, #tpu.memory_space<hbm>> -> memref<1024xf32, #tpu.memory_space<hbm>>
      %dma_start3A_181 = arith.constant 0 : i32
      %dma_start3A_182 = tpu.memref_slice %arg5[%squeeze3A_168, %dma_start3A_181] : memref<2x1024xf32, #tpu.memory_space<vmem>> -> memref<1x1024xf32, #tpu.memory_space<vmem>>
      %dma_start3A_183 = tpu.memref_squeeze %dma_start3A_182 : memref<1x1024xf32, #tpu.memory_space<vmem>> -> memref<1024xf32, #tpu.memory_space<vmem>>
      tpu.enqueue_dma source(%dma_start3A_183 : memref<1024xf32, #tpu.memory_space<vmem>>) target(%dma_start3A_180 : memref<1024xf32, #tpu.memory_space<hbm>>) target_semaphore(%arg9 : memref<!tpu.dma_semaphore, #tpu.memory_space<semaphore_mem>>)
      %slice3A_184 = vector.extract_strided_slice %get3A_61 {offsets = [8], sizes = [1], strides = [1]} : vector<16xi32> to vector<1xi32>
      %squeeze3A_185 = vector.extract %slice3A_184[0] : i32 from vector<1xi32>
      %add3A_186 = arith.addi %mul3A_2, %mul3A_59 : i32
      %add3A_187 = arith.constant 8 : i32
      %add3A_188 = arith.addi %add3A_186, %add3A_187 : i32
      %dma_start3A_189 = arith.constant 0 : i32
      %dma_start3A_190 = tpu.memref_slice %arg5[%squeeze3A_185, %dma_start3A_189] : memref<2x1024xf32, #tpu.memory_space<vmem>> -> memref<1x1024xf32, #tpu.memory_space<vmem>>
      %dma_start3A_191 = tpu.memref_squeeze %dma_start3A_190 : memref<1x1024xf32, #tpu.memory_space<vmem>> -> memref<1024xf32, #tpu.memory_space<vmem>>
      %dma_start3A_192 = arith.constant 0 : i32
      %dma_start3A_193 = tpu.memref_slice %arg4[%add3A_188, %dma_start3A_192] : memref<32768x1024xf32, #tpu.memory_space<hbm>> -> memref<1x1024xf32, #tpu.memory_space<hbm>>
      %dma_start3A_194 = tpu.memref_squeeze %dma_start3A_193 : memref<1x1024xf32, #tpu.memory_space<hbm>> -> memref<1024xf32, #tpu.memory_space<hbm>>
      %dma_start3A_195 = arith.constant 0 : i32
      %dma_start3A_196 = tpu.memref_slice %arg4[%add3A_188, %dma_start3A_195] : memref<32768x1024xf32, #tpu.memory_space<hbm>> -> memref<1x1024xf32, #tpu.memory_space<hbm>>
      %dma_start3A_197 = tpu.memref_squeeze %dma_start3A_196 : memref<1x1024xf32, #tpu.memory_space<hbm>> -> memref<1024xf32, #tpu.memory_space<hbm>>
      %dma_start3A_198 = arith.constant 0 : i32
      %dma_start3A_199 = tpu.memref_slice %arg5[%squeeze3A_185, %dma_start3A_198] : memref<2x1024xf32, #tpu.memory_space<vmem>> -> memref<1x1024xf32, #tpu.memory_space<vmem>>
      %dma_start3A_200 = tpu.memref_squeeze %dma_start3A_199 : memref<1x1024xf32, #tpu.memory_space<vmem>> -> memref<1024xf32, #tpu.memory_space<vmem>>
      tpu.enqueue_dma source(%dma_start3A_200 : memref<1024xf32, #tpu.memory_space<vmem>>) target(%dma_start3A_197 : memref<1024xf32, #tpu.memory_space<hbm>>) target_semaphore(%arg9 : memref<!tpu.dma_semaphore, #tpu.memory_space<semaphore_mem>>)
      %slice3A_201 = vector.extract_strided_slice %get3A_61 {offsets = [9], sizes = [1], strides = [1]} : vector<16xi32> to vector<1xi32>
      %squeeze3A_202 = vector.extract %slice3A_201[0] : i32 from vector<1xi32>
      %add3A_203 = arith.addi %mul3A_2, %mul3A_59 : i32
      %add3A_204 = arith.constant 9 : i32
      %add3A_205 = arith.addi %add3A_203, %add3A_204 : i32
      %dma_start3A_206 = arith.constant 0 : i32
      %dma_start3A_207 = tpu.memref_slice %arg5[%squeeze3A_202, %dma_start3A_206] : memref<2x1024xf32, #tpu.memory_space<vmem>> -> memref<1x1024xf32, #tpu.memory_space<vmem>>
      %dma_start3A_208 = tpu.memref_squeeze %dma_start3A_207 : memref<1x1024xf32, #tpu.memory_space<vmem>> -> memref<1024xf32, #tpu.memory_space<vmem>>
      %dma_start3A_209 = arith.constant 0 : i32
      %dma_start3A_210 = tpu.memref_slice %arg4[%add3A_205, %dma_start3A_209] : memref<32768x1024xf32, #tpu.memory_space<hbm>> -> memref<1x1024xf32, #tpu.memory_space<hbm>>
      %dma_start3A_211 = tpu.memref_squeeze %dma_start3A_210 : memref<1x1024xf32, #tpu.memory_space<hbm>> -> memref<1024xf32, #tpu.memory_space<hbm>>
      %dma_start3A_212 = arith.constant 0 : i32
      %dma_start3A_213 = tpu.memref_slice %arg4[%add3A_205, %dma_start3A_212] : memref<32768x1024xf32, #tpu.memory_space<hbm>> -> memref<1x1024xf32, #tpu.memory_space<hbm>>
      %dma_start3A_214 = tpu.memref_squeeze %dma_start3A_213 : memref<1x1024xf32, #tpu.memory_space<hbm>> -> memref<1024xf32, #tpu.memory_space<hbm>>
      %dma_start3A_215 = arith.constant 0 : i32
      %dma_start3A_216 = tpu.memref_slice %arg5[%squeeze3A_202, %dma_start3A_215] : memref<2x1024xf32, #tpu.memory_space<vmem>> -> memref<1x1024xf32, #tpu.memory_space<vmem>>
      %dma_start3A_217 = tpu.memref_squeeze %dma_start3A_216 : memref<1x1024xf32, #tpu.memory_space<vmem>> -> memref<1024xf32, #tpu.memory_space<vmem>>
      tpu.enqueue_dma source(%dma_start3A_217 : memref<1024xf32, #tpu.memory_space<vmem>>) target(%dma_start3A_214 : memref<1024xf32, #tpu.memory_space<hbm>>) target_semaphore(%arg9 : memref<!tpu.dma_semaphore, #tpu.memory_space<semaphore_mem>>)
      %slice3A_218 = vector.extract_strided_slice %get3A_61 {offsets = [10], sizes = [1], strides = [1]} : vector<16xi32> to vector<1xi32>
      %squeeze3A_219 = vector.extract %slice3A_218[0] : i32 from vector<1xi32>
      %add3A_220 = arith.addi %mul3A_2, %mul3A_59 : i32
      %add3A_221 = arith.constant 10 : i32
      %add3A_222 = arith.addi %add3A_220, %add3A_221 : i32
      %dma_start3A_223 = arith.constant 0 : i32
      %dma_start3A_224 = tpu.memref_slice %arg4[%add3A_222, %dma_start3A_223] : memref<32768x1024xf32, #tpu.memory_space<hbm>> -> memref<1x1024xf32, #tpu.memory_space<hbm>>
      %dma_start3A_225 = tpu.memref_squeeze %dma_start3A_224 : memref<1x1024xf32, #tpu.memory_space<hbm>> -> memref<1024xf32, #tpu.memory_space<hbm>>
      %dma_start3A_226 = arith.constant 0 : i32
      %dma_start3A_227 = tpu.memref_slice %arg7[%squeeze3A_219, %dma_start3A_226] : memref<2x1024xf32, #tpu.memory_space<vmem_shared>> -> memref<1x1024xf32, #tpu.memory_space<vmem_shared>>
      %dma_start3A_228 = tpu.memref_squeeze %dma_start3A_227 : memref<1x1024xf32, #tpu.memory_space<vmem_shared>> -> memref<1024xf32, #tpu.memory_space<vmem_shared>>
      tpu.enqueue_dma source(%dma_start3A_228 : memref<1024xf32, #tpu.memory_space<vmem_shared>>) target(%dma_start3A_225 : memref<1024xf32, #tpu.memory_space<hbm>>) target_semaphore(%arg10 : memref<!tpu.dma_semaphore, #tpu.memory_space<semaphore_mem>>)
      %slice3A_229 = vector.extract_strided_slice %get3A_61 {offsets = [11], sizes = [1], strides = [1]} : vector<16xi32> to vector<1xi32>
      %squeeze3A_230 = vector.extract %slice3A_229[0] : i32 from vector<1xi32>
      %add3A_231 = arith.addi %mul3A_2, %mul3A_59 : i32
      %add3A_232 = arith.constant 11 : i32
      %add3A_233 = arith.addi %add3A_231, %add3A_232 : i32
      %dma_start3A_234 = arith.constant 0 : i32
      %dma_start3A_235 = tpu.memref_slice %arg5[%squeeze3A_230, %dma_start3A_234] : memref<2x1024xf32, #tpu.memory_space<vmem>> -> memref<1x1024xf32, #tpu.memory_space<vmem>>
      %dma_start3A_236 = tpu.memref_squeeze %dma_start3A_235 : memref<1x1024xf32, #tpu.memory_space<vmem>> -> memref<1024xf32, #tpu.memory_space<vmem>>
      %dma_start3A_237 = arith.constant 0 : i32
      %dma_start3A_238 = tpu.memref_slice %arg4[%add3A_233, %dma_start3A_237] : memref<32768x1024xf32, #tpu.memory_space<hbm>> -> memref<1x1024xf32, #tpu.memory_space<hbm>>
      %dma_start3A_239 = tpu.memref_squeeze %dma_start3A_238 : memref<1x1024xf32, #tpu.memory_space<hbm>> -> memref<1024xf32, #tpu.memory_space<hbm>>
      %dma_start3A_240 = arith.constant 0 : i32
      %dma_start3A_241 = tpu.memref_slice %arg4[%add3A_233, %dma_start3A_240] : memref<32768x1024xf32, #tpu.memory_space<hbm>> -> memref<1x1024xf32, #tpu.memory_space<hbm>>
      %dma_start3A_242 = tpu.memref_squeeze %dma_start3A_241 : memref<1x1024xf32, #tpu.memory_space<hbm>> -> memref<1024xf32, #tpu.memory_space<hbm>>
      %dma_start3A_243 = arith.constant 0 : i32
      %dma_start3A_244 = tpu.memref_slice %arg5[%squeeze3A_230, %dma_start3A_243] : memref<2x1024xf32, #tpu.memory_space<vmem>> -> memref<1x1024xf32, #tpu.memory_space<vmem>>
      %dma_start3A_245 = tpu.memref_squeeze %dma_start3A_244 : memref<1x1024xf32, #tpu.memory_space<vmem>> -> memref<1024xf32, #tpu.memory_space<vmem>>
      tpu.enqueue_dma source(%dma_start3A_245 : memref<1024xf32, #tpu.memory_space<vmem>>) target(%dma_start3A_242 : memref<1024xf32, #tpu.memory_space<hbm>>) target_semaphore(%arg9 : memref<!tpu.dma_semaphore, #tpu.memory_space<semaphore_mem>>)
      %slice3A_246 = vector.extract_strided_slice %get3A_61 {offsets = [12], sizes = [1], strides = [1]} : vector<16xi32> to vector<1xi32>
      %squeeze3A_247 = vector.extract %slice3A_246[0] : i32 from vector<1xi32>
      %add3A_248 = arith.addi %mul3A_2, %mul3A_59 : i32
      %add3A_249 = arith.constant 12 : i32
      %add3A_250 = arith.addi %add3A_248, %add3A_249 : i32
      %dma_start3A_251 = arith.constant 0 : i32
      %dma_start3A_252 = tpu.memref_slice %arg5[%squeeze3A_247, %dma_start3A_251] : memref<2x1024xf32, #tpu.memory_space<vmem>> -> memref<1x1024xf32, #tpu.memory_space<vmem>>
      %dma_start3A_253 = tpu.memref_squeeze %dma_start3A_252 : memref<1x1024xf32, #tpu.memory_space<vmem>> -> memref<1024xf32, #tpu.memory_space<vmem>>
      %dma_start3A_254 = arith.constant 0 : i32
      %dma_start3A_255 = tpu.memref_slice %arg4[%add3A_250, %dma_start3A_254] : memref<32768x1024xf32, #tpu.memory_space<hbm>> -> memref<1x1024xf32, #tpu.memory_space<hbm>>
      %dma_start3A_256 = tpu.memref_squeeze %dma_start3A_255 : memref<1x1024xf32, #tpu.memory_space<hbm>> -> memref<1024xf32, #tpu.memory_space<hbm>>
      %dma_start3A_257 = arith.constant 0 : i32
      %dma_start3A_258 = tpu.memref_slice %arg4[%add3A_250, %dma_start3A_257] : memref<32768x1024xf32, #tpu.memory_space<hbm>> -> memref<1x1024xf32, #tpu.memory_space<hbm>>
      %dma_start3A_259 = tpu.memref_squeeze %dma_start3A_258 : memref<1x1024xf32, #tpu.memory_space<hbm>> -> memref<1024xf32, #tpu.memory_space<hbm>>
      %dma_start3A_260 = arith.constant 0 : i32
      %dma_start3A_261 = tpu.memref_slice %arg5[%squeeze3A_247, %dma_start3A_260] : memref<2x1024xf32, #tpu.memory_space<vmem>> -> memref<1x1024xf32, #tpu.memory_space<vmem>>
      %dma_start3A_262 = tpu.memref_squeeze %dma_start3A_261 : memref<1x1024xf32, #tpu.memory_space<vmem>> -> memref<1024xf32, #tpu.memory_space<vmem>>
      tpu.enqueue_dma source(%dma_start3A_262 : memref<1024xf32, #tpu.memory_space<vmem>>) target(%dma_start3A_259 : memref<1024xf32, #tpu.memory_space<hbm>>) target_semaphore(%arg9 : memref<!tpu.dma_semaphore, #tpu.memory_space<semaphore_mem>>)
      %slice3A_263 = vector.extract_strided_slice %get3A_61 {offsets = [13], sizes = [1], strides = [1]} : vector<16xi32> to vector<1xi32>
      %squeeze3A_264 = vector.extract %slice3A_263[0] : i32 from vector<1xi32>
      %add3A_265 = arith.addi %mul3A_2, %mul3A_59 : i32
      %add3A_266 = arith.constant 13 : i32
      %add3A_267 = arith.addi %add3A_265, %add3A_266 : i32
      %dma_start3A_268 = arith.constant 0 : i32
      %dma_start3A_269 = tpu.memref_slice %arg5[%squeeze3A_264, %dma_start3A_268] : memref<2x1024xf32, #tpu.memory_space<vmem>> -> memref<1x1024xf32, #tpu.memory_space<vmem>>
      %dma_start3A_270 = tpu.memref_squeeze %dma_start3A_269 : memref<1x1024xf32, #tpu.memory_space<vmem>> -> memref<1024xf32, #tpu.memory_space<vmem>>
      %dma_start3A_271 = arith.constant 0 : i32
      %dma_start3A_272 = tpu.memref_slice %arg4[%add3A_267, %dma_start3A_271] : memref<32768x1024xf32, #tpu.memory_space<hbm>> -> memref<1x1024xf32, #tpu.memory_space<hbm>>
      %dma_start3A_273 = tpu.memref_squeeze %dma_start3A_272 : memref<1x1024xf32, #tpu.memory_space<hbm>> -> memref<1024xf32, #tpu.memory_space<hbm>>
      %dma_start3A_274 = arith.constant 0 : i32
      %dma_start3A_275 = tpu.memref_slice %arg4[%add3A_267, %dma_start3A_274] : memref<32768x1024xf32, #tpu.memory_space<hbm>> -> memref<1x1024xf32, #tpu.memory_space<hbm>>
      %dma_start3A_276 = tpu.memref_squeeze %dma_start3A_275 : memref<1x1024xf32, #tpu.memory_space<hbm>> -> memref<1024xf32, #tpu.memory_space<hbm>>
      %dma_start3A_277 = arith.constant 0 : i32
      %dma_start3A_278 = tpu.memref_slice %arg5[%squeeze3A_264, %dma_start3A_277] : memref<2x1024xf32, #tpu.memory_space<vmem>> -> memref<1x1024xf32, #tpu.memory_space<vmem>>
      %dma_start3A_279 = tpu.memref_squeeze %dma_start3A_278 : memref<1x1024xf32, #tpu.memory_space<vmem>> -> memref<1024xf32, #tpu.memory_space<vmem>>
      tpu.enqueue_dma source(%dma_start3A_279 : memref<1024xf32, #tpu.memory_space<vmem>>) target(%dma_start3A_276 : memref<1024xf32, #tpu.memory_space<hbm>>) target_semaphore(%arg9 : memref<!tpu.dma_semaphore, #tpu.memory_space<semaphore_mem>>)
      %slice3A_280 = vector.extract_strided_slice %get3A_61 {offsets = [14], sizes = [1], strides = [1]} : vector<16xi32> to vector<1xi32>
      %squeeze3A_281 = vector.extract %slice3A_280[0] : i32 from vector<1xi32>
      %add3A_282 = arith.addi %mul3A_2, %mul3A_59 : i32
      %add3A_283 = arith.constant 14 : i32
      %add3A_284 = arith.addi %add3A_282, %add3A_283 : i32
      %dma_start3A_285 = arith.constant 0 : i32
      %dma_start3A_286 = tpu.memref_slice %arg5[%squeeze3A_281, %dma_start3A_285] : memref<2x1024xf32, #tpu.memory_space<vmem>> -> memref<1x1024xf32, #tpu.memory_space<vmem>>
      %dma_start3A_287 = tpu.memref_squeeze %dma_start3A_286 : memref<1x1024xf32, #tpu.memory_space<vmem>> -> memref<1024xf32, #tpu.memory_space<vmem>>
      %dma_start3A_288 = arith.constant 0 : i32
      %dma_start3A_289 = tpu.memref_slice %arg4[%add3A_284, %dma_start3A_288] : memref<32768x1024xf32, #tpu.memory_space<hbm>> -> memref<1x1024xf32, #tpu.memory_space<hbm>>
      %dma_start3A_290 = tpu.memref_squeeze %dma_start3A_289 : memref<1x1024xf32, #tpu.memory_space<hbm>> -> memref<1024xf32, #tpu.memory_space<hbm>>
      %dma_start3A_291 = arith.constant 0 : i32
      %dma_start3A_292 = tpu.memref_slice %arg4[%add3A_284, %dma_start3A_291] : memref<32768x1024xf32, #tpu.memory_space<hbm>> -> memref<1x1024xf32, #tpu.memory_space<hbm>>
      %dma_start3A_293 = tpu.memref_squeeze %dma_start3A_292 : memref<1x1024xf32, #tpu.memory_space<hbm>> -> memref<1024xf32, #tpu.memory_space<hbm>>
      %dma_start3A_294 = arith.constant 0 : i32
      %dma_start3A_295 = tpu.memref_slice %arg5[%squeeze3A_281, %dma_start3A_294] : memref<2x1024xf32, #tpu.memory_space<vmem>> -> memref<1x1024xf32, #tpu.memory_space<vmem>>
      %dma_start3A_296 = tpu.memref_squeeze %dma_start3A_295 : memref<1x1024xf32, #tpu.memory_space<vmem>> -> memref<1024xf32, #tpu.memory_space<vmem>>
      tpu.enqueue_dma source(%dma_start3A_296 : memref<1024xf32, #tpu.memory_space<vmem>>) target(%dma_start3A_293 : memref<1024xf32, #tpu.memory_space<hbm>>) target_semaphore(%arg9 : memref<!tpu.dma_semaphore, #tpu.memory_space<semaphore_mem>>)
      %slice3A_297 = vector.extract_strided_slice %get3A_61 {offsets = [15], sizes = [1], strides = [1]} : vector<16xi32> to vector<1xi32>
      %squeeze3A_298 = vector.extract %slice3A_297[0] : i32 from vector<1xi32>
      %add3A_299 = arith.addi %mul3A_2, %mul3A_59 : i32
      %add3A_300 = arith.constant 15 : i32
      %add3A_301 = arith.addi %add3A_299, %add3A_300 : i32
      %dma_start3A_302 = arith.constant 0 : i32
      %dma_start3A_303 = tpu.memref_slice %arg5[%squeeze3A_298, %dma_start3A_302] : memref<2x1024xf32, #tpu.memory_space<vmem>> -> memref<1x1024xf32, #tpu.memory_space<vmem>>
      %dma_start3A_304 = tpu.memref_squeeze %dma_start3A_303 : memref<1x1024xf32, #tpu.memory_space<vmem>> -> memref<1024xf32, #tpu.memory_space<vmem>>
      %dma_start3A_305 = arith.constant 0 : i32
      %dma_start3A_306 = tpu.memref_slice %arg4[%add3A_301, %dma_start3A_305] : memref<32768x1024xf32, #tpu.memory_space<hbm>> -> memref<1x1024xf32, #tpu.memory_space<hbm>>
      %dma_start3A_307 = tpu.memref_squeeze %dma_start3A_306 : memref<1x1024xf32, #tpu.memory_space<hbm>> -> memref<1024xf32, #tpu.memory_space<hbm>>
      %dma_start3A_308 = arith.constant 0 : i32
      %dma_start3A_309 = tpu.memref_slice %arg4[%add3A_301, %dma_start3A_308] : memref<32768x1024xf32, #tpu.memory_space<hbm>> -> memref<1x1024xf32, #tpu.memory_space<hbm>>
      %dma_start3A_310 = tpu.memref_squeeze %dma_start3A_309 : memref<1x1024xf32, #tpu.memory_space<hbm>> -> memref<1024xf32, #tpu.memory_space<hbm>>
      %dma_start3A_311 = arith.constant 0 : i32
      %dma_start3A_312 = tpu.memref_slice %arg5[%squeeze3A_298, %dma_start3A_311] : memref<2x1024xf32, #tpu.memory_space<vmem>> -> memref<1x1024xf32, #tpu.memory_space<vmem>>
      %dma_start3A_313 = tpu.memref_squeeze %dma_start3A_312 : memref<1x1024xf32, #tpu.memory_space<vmem>> -> memref<1024xf32, #tpu.memory_space<vmem>>
      tpu.enqueue_dma source(%dma_start3A_313 : memref<1024xf32, #tpu.memory_space<vmem>>) target(%dma_start3A_310 : memref<1024xf32, #tpu.memory_space<hbm>>) target_semaphore(%arg9 : memref<!tpu.dma_semaphore, #tpu.memory_space<semaphore_mem>>)
    }
    %scan3A_48 = arith.constant 64 : i32
    %dma_wait3A_49 = arith.constant 0 : i32
    %dma_wait3A_50 = tpu.memref_slice %arg4[%mul3A_2, %dma_wait3A_49] : memref<32768x1024xf32, #tpu.memory_space<hbm>> -> memref<192x1024xf32, #tpu.memory_space<hbm>>
    %dma_wait3A_51 = arith.constant 0 : i32
    %dma_wait3A_52 = tpu.memref_slice %arg4[%mul3A_2, %dma_wait3A_51] : memref<32768x1024xf32, #tpu.memory_space<hbm>> -> memref<192x1024xf32, #tpu.memory_space<hbm>>
    tpu.wait_dma2 semaphore(%arg10 : memref<!tpu.dma_semaphore, #tpu.memory_space<semaphore_mem>>) src(%dma_wait3A_52 : memref<192x1024xf32, #tpu.memory_space<hbm>>) dst(%dma_wait3A_50 : memref<192x1024xf32, #tpu.memory_space<hbm>>)
    %dma_wait3A_53 = arith.constant 0 : i32
    %dma_wait3A_54 = tpu.memref_slice %arg4[%mul3A_2, %dma_wait3A_53] : memref<32768x1024xf32, #tpu.memory_space<hbm>> -> memref<832x1024xf32, #tpu.memory_space<hbm>>
    %dma_wait3A_55 = arith.constant 0 : i32
    %dma_wait3A_56 = tpu.memref_slice %arg4[%mul3A_2, %dma_wait3A_55] : memref<32768x1024xf32, #tpu.memory_space<hbm>> -> memref<832x1024xf32, #tpu.memory_space<hbm>>
    tpu.wait_dma2 semaphore(%arg9 : memref<!tpu.dma_semaphore, #tpu.memory_space<semaphore_mem>>) src(%dma_wait3A_56 : memref<832x1024xf32, #tpu.memory_space<hbm>>) dst(%dma_wait3A_54 : memref<832x1024xf32, #tpu.memory_space<hbm>>)
    return
  }
}

</mosaic_0001>

<sc_bundles>
// kernel: kernel.3.cloned.1.call-start
scs
__scs_entry_jumppad:
0x0: {  	(pc) =	sbr.rel $0x88, $3  }
0x1: {  	(tag) =	ssettag $0x0;
	lr =	simm.s32 $0x1  }
0x2: {  	[smem:$0x3F9F] =	sst lr;
	_ =	strace $0xD0000000  }
0x3: {  	_ = 	snop  }
0x4: {  	_ = 	snop  }
0x5: {  	_ = 	snop  }
0x6: {  	_ = 	snop  }
0x7: {  	_ = 	snop  }
__scs_overlays_trampoline_lowered:
0x8: {  	[smem:$0x3FAE] =	sst s0  }
0x9: {  	[smem:$0x3FAF] =	sst s1  }
0xa: {  	[smem:$0x3FB0] =	sst s2  }
0xb: {  	[smem:$0x3FB1] =	sst s3  }
0xc: {  	[smem:$0x3FB2] =	sst s4  }
0xd: {  	[smem:$0x3FB3] =	sst s5  }
0xe: {  	[smem:$0x3FB4] =	sst s6  }
0xf: {  	[smem:$0x3FB5] =	sst s7  }
0x10: {  	[smem:$0x3FB6] =	sst s8  }
0x11: {  	[smem:$0x3FB7] =	sst s9;
	s0 =	simm.s32 @!p0 $0x0  }
0x12: {  	s1 =	sld [smem:$0x3F9D];
	s0 =	simm.s32 @p0 $0x1  }
0x13: {  	[smem:$0x3FB8] =	sst s0;
	s0 =	simm.s32 @!p1 $0x0  }
0x14: {  	s2 =	sld [smem:$0x3F9C];
	s0 =	simm.s32 @p1 $0x1  }
0x15: {  	[smem:$0x3FB9] =	sst s0;
	s0 =	simm.s32 @!p2 $0x0  }
0x16: {  	s3 =	sld [smem:$0x3FDB];
	s0 =	simm.s32 @p2 $0x1  }
0x17: {  	s4 =	simm.s32 $0x1BF5;
	[smem:$0x3FBB] =	sst s0  }
0x18: {  	s0 =	sld [smem:$0x3F9E];
	_ =	swait.ge [sflag:s4], $0x0  }
0x19: {  	s7 =	sld [smem:$0x3F9F]  }
0x1a: {  	s8 =	sadd.s32 $0xFFFFE003, lr  }
0x1b: {  	s9 =	sadd.s32 $0xFFFFFEF7, lr;
	s5 =	simm.s32 $0xFFFFFFFF;
	p2 =	slt.u32 s8, $0xFFFFF086  }
0x1c: {  	p1 =	slt.u32 s9, $0xF7A;
	s5 =	simm.s32 @!p2 $0x0  }
0x1d: {  	s5 =	simm.s32 @p1 $0x1;
	p0 =	seq.s32 s7, s2  }
0x1e: {  	s7 =	smul.u32 @!p0 $0xF7A, s2;
	p2 =	seq.s32 @!p0 s5, $0x0  }
0x1f: {  	s9 =	smul.u32 $0xF7A, s1;
	s8 =	simm.s32 @!p0 $0x1BF5;
	p2 =	por !p2, p0  }
0x20: {  	[sflag:s8] =	ssyncset.s32 @!p0 $0xFFFFF086;
	s6 =	sadd.s32 @!p0 s3, s7;
	s7 =	simm.s32 @!p0 $0x108  }
0x21: {  	s3 =	sadd.s32 s3, s9;
	s6 =	sadd.s32 @!p0 $0x88, s6;
	s7 =	simm.s32 @p2 $0x1082  }
0x22: {  	[simem:s7], [sflag:s8] =	dma.local @!p0 [hbm:s6], $0xF7A  }
0x23: {  	s9 =	sor.u32 $0xD0000000, s2;
	s6 =	simm.s32 $0x108;
	_ =	swait.ge @!p0 [sflag:s8], $0x0  }
0x24: {  	s3 =	sadd.s32 $0x88, s3;
	s6 =	simm.s32 @!p1 $0x1082;
	[sflag:s4] =	ssyncset.s32 $0xFFFFF086  }
0x25: {  	[simem:s6], [sflag:s4] =	dma.local [hbm:s3], $0xF7A  }
0x26: {  	[smem:$0x3F9F] =	sst s1;
	(tag) =	ssettag s2;
	_ =	strace s9  }
0x27: {  	s1 =	sld [smem:$0x3FAF]  }
0x28: {  	s2 =	sld [smem:$0x3FB0]  }
0x29: {  	s4 =	sld [smem:$0x3FB2]  }
0x2a: {  	p0 =	seq.s32 s5, $0x0;
	s5 =	sld [smem:$0x3FB3]  }
0x2b: {  	s6 =	sld [smem:$0x3FB4]  }
0x2c: {  	s7 =	sld [smem:$0x3FB5]  }
0x2d: {  	s3 =	simm.s32 $0x108;
	s8 =	sld [smem:$0x3FB6]  }
0x2e: {  	s3 =	simm.s32 @!p0 $0x1082;
	s9 =	sld [smem:$0x3FB7]  }
0x2f: {  	lr =	sadd.s32 s0, s3;
	s0 =	sld [smem:$0x3FAE]  }
0x30: {  	s3 =	sld [smem:$0x3FB1]  }
0x31: {  	[smem:$0x3FBA] =	sst s10  }
0x32: {  	s10 =	sld [smem:$0x3FB8];
	_ =	sdelay $0x3  }
0x33: {  	p0 =	seq.s32 s10, $0x1;
	s10 =	sld [smem:$0x3FBA];
	_ =	sdelay $0x3  }
0x34: {  	[smem:$0x3FBA] =	sst s10  }
0x35: {  	s10 =	sld [smem:$0x3FB9];
	_ =	sdelay $0x3  }
0x36: {  	p1 =	seq.s32 s10, $0x1;
	s10 =	sld [smem:$0x3FBA];
	_ =	sdelay $0x3  }
0x37: {  	[smem:$0x3FBA] =	sst s10  }
0x38: {  	s10 =	sld [smem:$0x3FBB]  }
0x39: {  	_ = 	snop;
	(pc) =	sbr.ind lr, $3  }
0x3a: {  	_ = 	snop  }
0x3b: {  	_ = 	snop  }
0x3c: {  	p2 =	seq.s32 s10, $0x1;
	s10 =	sld [smem:$0x3FBA]  }
0x3d: {  	_ =	shalt  }
0x3e: {  	_ =	shalt  }
0x3f: {  	_ =	shalt  }
0x40: {  	_ =	shalt  }
0x41: {  	_ =	shalt  }
0x42: {  	_ =	shalt  }
0x43: {  	_ =	shalt  }
0x44: {  	_ =	shalt  }
0x45: {  	_ =	shalt  }
0x46: {  	_ =	shalt  }
0x47: {  	_ =	shalt  }
0x48: {  	_ =	shalt  }
0x49: {  	_ =	shalt  }
0x4a: {  	_ =	shalt  }
0x4b: {  	_ =	shalt  }
0x4c: {  	_ =	shalt  }
0x4d: {  	_ =	shalt  }
0x4e: {  	_ =	shalt  }
0x4f: {  	_ =	shalt  }
0x50: {  	_ =	shalt  }
0x51: {  	_ =	shalt  }
0x52: {  	_ =	shalt  }
0x53: {  	_ =	shalt  }
0x54: {  	_ =	shalt  }
0x55: {  	_ =	shalt  }
0x56: {  	_ =	shalt  }
0x57: {  	_ =	shalt  }
0x58: {  	_ =	shalt  }
0x59: {  	_ =	shalt  }
0x5a: {  	_ =	shalt  }
0x5b: {  	_ =	shalt  }
0x5c: {  	_ =	shalt  }
0x5d: {  	_ =	shalt  }
0x5e: {  	_ =	shalt  }
0x5f: {  	_ =	shalt  }
0x60: {  	_ =	shalt  }
0x61: {  	_ =	shalt  }
0x62: {  	_ =	shalt  }
0x63: {  	_ =	shalt  }
0x64: {  	_ =	shalt  }
0x65: {  	_ =	shalt  }
0x66: {  	_ =	shalt  }
0x67: {  	_ =	shalt  }
0x68: {  	_ =	shalt  }
0x69: {  	_ =	shalt  }
0x6a: {  	_ =	shalt  }
0x6b: {  	_ =	shalt  }
0x6c: {  	_ =	shalt  }
0x6d: {  	_ =	shalt  }
0x6e: {  	_ =	shalt  }
0x6f: {  	_ =	shalt  }
0x70: {  	_ =	shalt  }
0x71: {  	_ =	shalt  }
0x72: {  	_ =	shalt  }
0x73: {  	_ =	shalt  }
0x74: {  	_ =	shalt  }
0x75: {  	_ =	shalt  }
0x76: {  	_ =	shalt  }
0x77: {  	_ =	shalt  }
0x78: {  	_ =	shalt  }
0x79: {  	_ =	shalt  }
0x7a: {  	_ =	shalt  }
0x7b: {  	_ =	shalt  }
0x7c: {  	_ =	shalt  }
0x7d: {  	_ =	shalt  }
0x7e: {  	_ =	shalt  }
0x7f: {  	_ =	shalt  }
0x80: {  	_ =	shalt  }
0x81: {  	_ =	shalt  }
0x82: {  	_ =	shalt  }
0x83: {  	_ =	shalt  }
0x84: {  	_ =	shalt  }
0x85: {  	_ =	shalt  }
0x86: {  	_ =	shalt  }
0x87: {  	_ =	shalt  }
.Lfunc_end0:
.L_simem_size_0:
called_computation_lowered:
.L_overlay_start_0:
0x88: {  	s2 =	sld [smem:$0x3FD9]  }
0x89: {  	s3 =	sld [smem:$0x3FFE];
	_ =	sdelay $0x1  }
0x8a: {  	s1 =	srdreg.scid  }
0x8b: {  	s0 =	sand.u32 $0x1, s1  }
0x8c: {  	s18 =	sshll.u32 s0, $0xA;
	s2 =	sadd.s32 s3, s2  }
0x8d: {  	s2 =	sadd.s32 s2, s18  }
0x8e: {  	[smem:$0x3FC6] =	sst s2  }
0x8f: {  	_ = 	snop  }
0x90: {  	s2 =	sld [smem:$0x3FC9]  }
0x91: {  	s19 =	sld [smem:$0x3FC8]  }
0x92: {  	s4 =	sld [smem:$0x3FD0];
	(tm) =	ssettm $0x1  }
0x93: {  	s5 =	sld [smem:$0x3FFB];
	_ =	sdelay $0x3  }
0x94: {  	_ =	strace s5  }
0x95: {  	s5 =	sld [smem:$0x3FFC];
	_ =	sdelay $0x3  }
0x96: {  	_ =	strace s5  }
0x97: {  	s5 =	sld [smem:$0x3FFD];
	_ =	sdelay $0x3  }
0x98: {  	_ =	strace s5  }
0x99: {  	_ =	strace $0x8FFFFFFF  }
0x9a: {  	s20 =	sld [smem:$0x3FDB];
	_ =	sdelay $0x1  }
0x9b: {  	s6 =	simm.s32 $_scs_section_size  }
0x9c: {  	s7 =	simm.s32 $_size__tile_overlayer_lowered;
	s8 =	simm.s32 $_tile_overlayer_lowered  }
0x9d: {  	s23 =	simm.s32 $0x1BFF;
	s22 =	sshll.u32 s8, $0x1;
	s5 =	sadd.s32 s6, s20  }
0x9e: {  	s9 =	simm.s32 $0x0;
	s21 =	sshll.u32 s7, $0x1;
	s7 =	sadd.s32 s22, s5  }
0x9f: {  	[timem:s9], [sflag:s23] =	dma.local [hbm:s7], s21  }
0xa0: {  	_ =	swait.ge [sflag:s23], s21  }
0xa1: {  	s6 =	ssub.s32 $0x0, s21;
	[sflag:s23] =	ssyncset.done $0x0  }
0xa2: {  	[sflag:s23] =	ssyncadd.s32 s6;
	_ =	sdelay $0x1  }
0xa3: {  	s24 =	simm.s32 $0x1B8B  }
0xa4: {  	_ =	swait.ge [sflag:s24], $0x1  }
0xa5: {  	[sflag:s24] =	ssyncset.done $0x0  }
0xa6: {  	s25 =	simm.s32 $0x1B8E;
	[sflag:s24] =	ssyncadd.s32 $0xFFFFFFFF  }
0xa7: {  	s26 =	simm.s32 $execute0_lowered;
	[smem:$0x3FD2] =	sst s25  }
0xa8: {  	s6 =	sshll.u32 s26, $0x1;
	_ =	strace $0x80000046;
	[dreg:$0x1] =	wrdreg $0xFFFFFFFF  }
0xa9: {  	s28 =	simm.s32 $_size_execute0_lowered;
	s5 =	sadd.s32 s5, s6;
	[dreg:$0x0] =	wrdreg $0x0  }
0xaa: {  	s6 =	sshll.u32 s28, $0x1;
	[dreg:$0x2] =	wrdreg s5  }
0xab: {  	[dreg:$0x3] =	wrdreg s6  }
0xac: {  	[dreg:$0x4] =	wrdreg $0xC0  }
0xad: {  	_ =	task [dreg:s9], $0x5FFFF  }
0xae: {  	[dreg:$0x1] =	wrdreg $0xFFFFFFFF  }
0xaf: {  	[dreg:$0x0] =	wrdreg $0x60  }
0xb0: {  	[dreg:$0x2] =	wrdreg s2  }
0xb1: {  	[dreg:$0x3] =	wrdreg s19  }
0xb2: {  	[dreg:$0x4] =	wrdreg s4  }
0xb3: {  	[dreg:$0x5] =	wrdreg $0xC000  }
0xb4: {  	[dreg:$0x6] =	wrdreg $0x9  }
0xb5: {  	_ =	task.clear_ibuf [dreg:s9], $0x7FFFF;
	_ =	strace $0x90000046  }
0xb6: {  	s29 =	simm.s32 $0x9;
	_ =	strace $0x80000048  }
0xb7: {  	_ =	swait.ge [sflag:s29], $0x1  }
0xb8: {  	[sflag:s29] =	ssyncadd.s32 $0xFFFFFFFF  }
0xb9: {  	_ =	strace $0x90000048  }
0xba: {  	_ =	sfence  }
0xbb: {  	s30 =	sld [smem:$0x0];
	_ =	sdelay $0x2  }
0xbc: {  	s31 =	sshll.u32 s1, $0xD;
	s1 =	sshrl.u32 s1, $0x2  }
0xbd: {  	s3 =	sand.u32 $0x4000, s31;
	s1 =	sadd.s32 s1, s30  }
0xbe: {  	s0 =	sor.u32 s3, s0;
	s1 =	sshll.u32 s1, $0x11  }
0xbf: {  	s0 =	sor.u32 s1, s0  }
0xc0: {  	s0 =	sadd.s32 $0x8F2B, s0  }
0xc1: {  	[sflag:s0] =	ssyncadd.remote.s32 $0x1  }
0xc2: {  	_ =	sfence.sel $0xFFFF  }
0xc3: {  	[dreg:$0x0] =	wrdreg $0xFFFFFFFF;
	(pc) =	sbr.abs _section_cstart, $3  }
0xc4: {  	[dreg:$0x1] =	wrdreg $0xFFFFFFFF  }
0xc5: {  	_ =	task.clear_ibuf [dreg:s9], $0x2FFFF;
	_ =	strace $0x9FFFFFFF  }
0xc6: {  	(tm) =	ssettm $0x7FFFFFFF  }
0xc7: {  	_ =	shalt  }
tec
execute0_lowered:
.L_overlay_start_1:
0x0: {  	(tag) =	ssettag $0x1  }
0x1: {  	s4 =	rddreg [dreg:$0x0]  }
0x2: {  	s1 =	rddreg [dreg:$0x1]  }
0x3: {  	s5 =	rddreg [dreg:$0x2]  }
0x4: {  	s2 =	rddreg [dreg:$0x3]  }
0x5: {  	s0 =	rddreg [dreg:$0x4];
	s3 =	simm.s32 $0x0  }
0x6: {  	s6 =	srdreg.scid;
	s9 =	stileid.u32;
	s12 =	simm.s32 $0x3  }
0x7: {  	s13 =	simm.s32 $0x2;
	s14 =	simm.s32 $0x0;
	[smem:$0x7FF] =	sst s3  }
0x8: {  	s6 =	sand.u32 $0x1, s6;
	s10 =	sshll.u32 s9, $0xA;
	s28 =	sshll.u32 s9, $0x2  }
0x9: {  	s29 =	sshll.u32 s9, $0x12;
	p0 =	sne.s32 s9, $0x0;
	s31 =	sshll.u32 s9, $0x6  }
0xa: {  	s9 =	simm.s32 $0x1;
	_ =	strace $0x80000047;
	s7 =	ssub.s32 $0x2, s6  }
0xb: {  	s11 =	sshll.u32 s6, $0x9;
	s30 =	sadd.s32 s29, s5;
	s6 =	sshll.u32 s6, $0x11  }
0xc: {  	s8 =	sshrl.u32 s7, $0x1;
	s26 =	sor.u32 s11, s10;
	s10 =	sand.u32 $0x30, s28  }
0xd: {  	s6 =	sadd.s32 s6, s30;
	s11 =	simm.s32 $0x20;
	s7 =	ssub.s32 s7, s8  }
0xe: {  	s8 =	sand.u32 $0xE00, s26;
	s4 =	sadd.s32 s4, s10;
	[dreg:$0x5] =	wrdreg s6  }
0xf: {  	s6 =	simm.s32 $0x80;
	s10 =	sor.u32 $0x1C03, s31;
	s4 =	sadd.s32 s8, s4  }
0x10: {  	s5 =	smax.u32 s7, $0x1;
	s7 =	simm.s32 $0x200;
	s8 =	simm.s32 $0x800  }
.LBB2_1:
0x11: {  	[tilespmem:s3], [sflag:$0x1] =	stream.linear.gather [hbm4b:s1+s3], $0x800, $0x38;
	[tilespmem:$0xC80] =	vst v63  }
0x12: {  	_ = 	snop  }
0x13: {  	[tilespmem:s8], [sflag:$0x1] =	stream.strided.gather [hbm4b:s4+s6], $0x400, s7, s6, $0x38;
	[tilespmem:$0xC80] =	vst v63  }
0x14: {  	_ =	swait.ge [sflag:s9], $0x800  }
0x15: {  	[sflag:s9] =	ssyncset.done $0x0  }
0x16: {  	[sflag:s9] =	ssyncadd.s32 $0xFFFFF800  }
0x17: {  	_ =	swait.ge [sflag:s9], $0x400  }
0x18: {  	[sflag:s9] =	ssyncset.done $0x0  }
0x19: {  	s15 =	simm.s32 @!p0 $0x0;
	[sflag:s9] =	ssyncadd.s32 $0xFFFFFC00  }
0x1a: {  	[spmem:s2] =	stream.linear.scatter @!p0 [tilespmem:s15], [sflag:$0x4], $0x800, $0x38;
	[tilespmem:$0xC80] =	vst v63  }
0x1b: {  	s15 =	simm.s32 @!p0 $0x4  }
0x1c: {  	_ =	swait.ge @!p0 [sflag:s15], $0x800  }
0x1d: {  	[sflag:s15] =	ssyncset.done @!p0 $0x0  }
0x1e: {  	[sflag:s15] =	ssyncadd.s32 @!p0 $0xFFFFF800  }
0x1f: {  	[bflag:$0x0] =	sbarrier.arrive $0xFFFF  }
0x20: {  	v0 =	vld [tilespmem:s8+$0x0];
	_ =	sdelay $0x4  }
0x21: {  	(v2sf) =	vpush v0, $0x0  }
0x22: {  	(v2sf) =	vpush v0, $0x1;
	_ =	sdelay $0x1  }
0x23: {  	(v2sf) =	vpush v0, $0x2;
	_ =	sdelay $0xb  }
0x24: {  	s25 =	spop (v2sf)  }
0x25: {  	s16 =	rddreg [dreg:$0x5];
	s17 =	sshll.u32 s25, $0xA;
	s18 =	spop (v2sf)  }
0x26: {  	s15 =	sshll.u32 s25, $0x7;
	s17 =	sand.u32 $0xFFFFF800, s17;
	s19 =	sshll.u32 s18, $0xA  }
0x27: {  	s18 =	sshll.u32 s18, $0x7;
	s15 =	sand.u32 $0x80, s15;
	s20 =	spop (v2sf)  }
0x28: {  	(v2sf) =	vpush v0, $0x3;
	s17 =	sadd.s32 s17, s2;
	s18 =	sand.u32 $0x80, s18;
	s19 =	sand.u32 $0xFFFFF800, s19  }
0x29: {  	s30 =	sshll.u32 s20, $0xA;
	s17 =	sadd.s32 s15, s17;
	s15 =	sadd.s32 $0x0, s16  }
0x2a: {  	s16 =	sor.u32 s18, s19;
	s26 =	sshrl.u32 s17, $0x3;
	s28 =	sadd.s32 $0x10, s15  }
0x2b: {  	[hbm:s15@s6], [sflag:s10] =	dma.strided [spmem:s26@s11], $0x80, s9, $0x10   }
0x2c: {  	[hbm4b:s28+s3] =	stream.linear.scatter [tilespmem:s16], [sflag:$0x2], $0x80, $0x38;
	[tilespmem:$0xC80] =	vst v63  }
0x2d: {  	s31 =	sshll.u32 s20, $0x7;
	s29 =	sadd.s32 $0x90, s15;
	s19 =	sor.u32 $0x100, s16  }
0x2e: {  	[hbm4b:s29+s3] =	stream.linear.scatter [tilespmem:s19], [sflag:$0x2], $0x80, $0x38;
	[tilespmem:$0xC80] =	vst v63  }
0x2f: {  	s18 =	sand.u32 $0x80, s31;
	s21 =	sadd.s32 $0x110, s15;
	s22 =	sor.u32 $0x200, s16  }
0x30: {  	(v2sf) =	vpush v0, $0x4;
	[hbm4b:s21+s3] =	stream.linear.scatter [tilespmem:s22], [sflag:$0x2], $0x80, $0x38;
	[tilespmem:$0xC80] =	vst v63  }
0x31: {  	s23 =	sadd.s32 $0x190, s15;
	s17 =	sand.u32 $0xFFFFF800, s30;
	s24 =	sor.u32 $0x300, s16  }
0x32: {  	[hbm4b:s23+s3] =	stream.linear.scatter [tilespmem:s24], [sflag:$0x2], $0x80, $0x38;
	[tilespmem:$0xC80] =	vst v63  }
0x33: {  	s25 =	sadd.s32 $0x210, s15;
	s30 =	sadd.s32 $0x310, s15;
	s26 =	sor.u32 $0x400, s16  }
0x34: {  	[hbm4b:s25+s3] =	stream.linear.scatter [tilespmem:s26], [sflag:$0x2], $0x80, $0x38;
	[tilespmem:$0xC80] =	vst v63  }
0x35: {  	s17 =	sor.u32 s18, s17;
	s28 =	sadd.s32 $0x290, s15;
	s29 =	sor.u32 $0x500, s16  }
0x36: {  	[hbm4b:s28+s3] =	stream.linear.scatter [tilespmem:s29], [sflag:$0x2], $0x80, $0x38;
	[tilespmem:$0xC80] =	vst v63  }
0x37: {  	s22 =	sor.u32 $0x600, s16;
	s16 =	sor.u32 $0x700, s16;
	s31 =	spop (v2sf)  }
0x38: {  	[hbm4b:s30+s3] =	stream.linear.scatter [tilespmem:s22], [sflag:$0x2], $0x80, $0x38;
	[tilespmem:$0xC80] =	vst v63  }
0x39: {  	s23 =	sadd.s32 $0x390, s15;
	s25 =	sadd.s32 $0x20, s15;
	s24 =	sshll.u32 s31, $0xA  }
0x3a: {  	[hbm4b:s23+s3] =	stream.linear.scatter [tilespmem:s16], [sflag:$0x2], $0x80, $0x38;
	[tilespmem:$0xC80] =	vst v63  }
0x3b: {  	s26 =	sadd.s32 $0xA0, s15;
	s19 =	sand.u32 $0xFFFFF800, s24;
	s29 =	sor.u32 $0x100, s17  }
0x3c: {  	(v2sf) =	vpush v0, $0x5;
	[hbm4b:s25+s3] =	stream.linear.scatter [tilespmem:s17], [sflag:$0x2], $0x80, $0x38;
	[tilespmem:$0xC80] =	vst v63  }
0x3d: {  	s24 =	sor.u32 $0x300, s17;
	s22 =	sadd.s32 $0x120, s15;
	s16 =	sshll.u32 s31, $0x7  }
0x3e: {  	[hbm4b:s26+s3] =	stream.linear.scatter [tilespmem:s29], [sflag:$0x2], $0x80, $0x38;
	[tilespmem:$0xC80] =	vst v63  }
0x3f: {  	s31 =	sor.u32 $0x200, s17;
	s23 =	sadd.s32 $0x1A0, s15;
	s28 =	spop (v2sf)  }
0x40: {  	[hbm4b:s22+s3] =	stream.linear.scatter [tilespmem:s31], [sflag:$0x2], $0x80, $0x38;
	[tilespmem:$0xC80] =	vst v63  }
0x41: {  	s16 =	sand.u32 $0x80, s16;
	s30 =	sshll.u32 s28, $0xA;
	s20 =	sshll.u32 s28, $0x7  }
0x42: {  	(v2sf) =	vpush v0, $0x6;
	[hbm4b:s23+s3] =	stream.linear.scatter [tilespmem:s24], [sflag:$0x2], $0x80, $0x38;
	[tilespmem:$0xC80] =	vst v63  }
0x43: {  	s25 =	sor.u32 $0x400, s17;
	s28 =	sadd.s32 $0x2A0, s15;
	s26 =	sadd.s32 $0x220, s15  }
0x44: {  	[hbm4b:s26+s3] =	stream.linear.scatter [tilespmem:s25], [sflag:$0x2], $0x80, $0x38;
	[tilespmem:$0xC80] =	vst v63  }
0x45: {  	s16 =	sor.u32 s16, s19;
	s18 =	sand.u32 $0xFFFFF800, s30;
	s29 =	sor.u32 $0x500, s17  }
0x46: {  	[hbm4b:s28+s3] =	stream.linear.scatter [tilespmem:s29], [sflag:$0x2], $0x80, $0x38;
	[tilespmem:$0xC80] =	vst v63  }
0x47: {  	s20 =	sand.u32 $0x80, s20;
	s30 =	sor.u32 $0x600, s17;
	s31 =	sadd.s32 $0x320, s15  }
0x48: {  	[hbm4b:s31+s3] =	stream.linear.scatter [tilespmem:s30], [sflag:$0x2], $0x80, $0x38;
	[tilespmem:$0xC80] =	vst v63  }
0x49: {  	s17 =	sor.u32 $0x700, s17;
	s22 =	sadd.s32 $0x3A0, s15;
	s23 =	sadd.s32 $0x30, s15  }
0x4a: {  	[hbm4b:s22+s3] =	stream.linear.scatter [tilespmem:s17], [sflag:$0x2], $0x80, $0x38;
	[tilespmem:$0xC80] =	vst v63  }
0x4b: {  	s24 =	sor.u32 $0x100, s16;
	s25 =	spop (v2sf);
	s26 =	sadd.s32 $0xB0, s15  }
0x4c: {  	[hbm4b:s23+s3] =	stream.linear.scatter [tilespmem:s16], [sflag:$0x2], $0x80, $0x38;
	[tilespmem:$0xC80] =	vst v63  }
0x4d: {  	s19 =	sshll.u32 s25, $0x7;
	s28 =	sshll.u32 s25, $0xA;
	s29 =	sor.u32 $0x200, s16  }
0x4e: {  	[hbm4b:s26+s3] =	stream.linear.scatter [tilespmem:s24], [sflag:$0x2], $0x80, $0x38;
	[tilespmem:$0xC80] =	vst v63  }
0x4f: {  	s19 =	sand.u32 $0x80, s19;
	s30 =	sadd.s32 $0x130, s15;
	s17 =	sor.u32 s20, s18  }
0x50: {  	[hbm4b:s30+s3] =	stream.linear.scatter [tilespmem:s29], [sflag:$0x2], $0x80, $0x38;
	[tilespmem:$0xC80] =	vst v63  }
0x51: {  	s18 =	spop (v2sf);
	s22 =	sor.u32 $0x300, s16;
	s23 =	sadd.s32 $0x1B0, s15  }
0x52: {  	(v2sf) =	vpush v0, $0x7;
	[hbm4b:s23+s3] =	stream.linear.scatter [tilespmem:s22], [sflag:$0x2], $0x80, $0x38;
	[tilespmem:$0xC80] =	vst v63  }
0x53: {  	s25 =	sadd.s32 $0x230, s15;
	s31 =	sand.u32 $0xFFFFF800, s28;
	s24 =	sor.u32 $0x400, s16  }
0x54: {  	[hbm4b:s25+s3] =	stream.linear.scatter [tilespmem:s24], [sflag:$0x2], $0x80, $0x38;
	[tilespmem:$0xC80] =	vst v63  }
0x55: {  	s28 =	sadd.s32 $0x2B0, s15;
	s20 =	sadd.s32 s31, s2;
	s26 =	sor.u32 $0x500, s16  }
0x56: {  	[hbm4b:s28+s3] =	stream.linear.scatter [tilespmem:s26], [sflag:$0x2], $0x80, $0x38;
	[tilespmem:$0xC80] =	vst v63  }
0x57: {  	s31 =	sadd.s32 $0x330, s15;
	s19 =	sadd.s32 s19, s20;
	s30 =	sor.u32 $0x600, s16  }
0x58: {  	[hbm4b:s31+s3] =	stream.linear.scatter [tilespmem:s30], [sflag:$0x2], $0x80, $0x38;
	[tilespmem:$0xC80] =	vst v63  }
0x59: {  	s19 =	sshrl.u32 s19, $0x3;
	s16 =	sor.u32 $0x700, s16;
	s22 =	sadd.s32 $0x3B0, s15  }
0x5a: {  	[hbm4b:s22+s3] =	stream.linear.scatter [tilespmem:s16], [sflag:$0x2], $0x80, $0x38;
	[tilespmem:$0xC80] =	vst v63  }
0x5b: {  	s29 =	sshll.u32 s18, $0xA;
	s23 =	sshll.u32 s18, $0x7;
	s24 =	sadd.s32 $0x40, s15  }
0x5c: {  	[hbm4b:s24+s3] =	stream.linear.scatter [tilespmem:s17], [sflag:$0x2], $0x80, $0x38;
	[tilespmem:$0xC80] =	vst v63  }
0x5d: {  	s18 =	sand.u32 $0xFFFFF800, s29;
	s25 =	sor.u32 $0x100, s17;
	s26 =	sadd.s32 $0xC0, s15  }
0x5e: {  	[hbm4b:s26+s3] =	stream.linear.scatter [tilespmem:s25], [sflag:$0x2], $0x80, $0x38;
	[tilespmem:$0xC80] =	vst v63  }
0x5f: {  	s29 =	sadd.s32 $0x140, s15;
	s28 =	sor.u32 $0x200, s17;
	s30 =	sor.u32 $0x300, s17  }
0x60: {  	[hbm4b:s29+s3] =	stream.linear.scatter [tilespmem:s28], [sflag:$0x2], $0x80, $0x38;
	[tilespmem:$0xC80] =	vst v63  }
0x61: {  	s31 =	sadd.s32 $0x1C0, s15;
	s20 =	spop (v2sf);
	s16 =	sand.u32 $0x80, s23  }
0x62: {  	[hbm4b:s31+s3] =	stream.linear.scatter [tilespmem:s30], [sflag:$0x2], $0x80, $0x38;
	[tilespmem:$0xC80] =	vst v63  }
0x63: {  	s21 =	sshll.u32 s20, $0xA;
	s24 =	sor.u32 $0x400, s17;
	s25 =	sadd.s32 $0x240, s15  }
0x64: {  	(v2sf) =	vpush v0, $0x8;
	[hbm4b:s25+s3] =	stream.linear.scatter [tilespmem:s24], [sflag:$0x2], $0x80, $0x38;
	[tilespmem:$0xC80] =	vst v63  }
0x65: {  	s16 =	sor.u32 s16, s18;
	s26 =	sor.u32 $0x500, s17;
	s28 =	sadd.s32 $0x2C0, s15  }
0x66: {  	[hbm4b:s28+s3] =	stream.linear.scatter [tilespmem:s26], [sflag:$0x2], $0x80, $0x38;
	[tilespmem:$0xC80] =	vst v63  }
0x67: {  	s29 =	sadd.s32 $0x60, s15;
	s30 =	sor.u32 $0x600, s17;
	s31 =	sadd.s32 $0x340, s15  }
0x68: {  	[hbm4b:s31+s3] =	stream.linear.scatter [tilespmem:s30], [sflag:$0x2], $0x80, $0x38;
	[tilespmem:$0xC80] =	vst v63  }
0x69: {  	s17 =	sor.u32 $0x700, s17;
	s24 =	sadd.s32 $0x50, s15;
	s25 =	sadd.s32 $0x3C0, s15  }
0x6a: {  	[hbm4b:s25+s3] =	stream.linear.scatter [tilespmem:s17], [sflag:$0x2], $0x80, $0x38;
	[tilespmem:$0xC80] =	vst v63  }
0x6b: {  	[hbm:s24@s6], [sflag:s10] =	dma.strided [spmem:s19@s11], $0x80, s9, $0x10   }
0x6c: {  	[hbm4b:s29+s3] =	stream.linear.scatter [tilespmem:s16], [sflag:$0x2], $0x80, $0x38;
	[tilespmem:$0xC80] =	vst v63  }
0x6d: {  	s23 =	sadd.s32 $0x1E0, s15;
	s26 =	sor.u32 $0x100, s16;
	s28 =	sadd.s32 $0xE0, s15  }
0x6e: {  	[hbm4b:s28+s3] =	stream.linear.scatter [tilespmem:s26], [sflag:$0x2], $0x80, $0x38;
	[tilespmem:$0xC80] =	vst v63  }
0x6f: {  	s18 =	sand.u32 $0xFFFFF800, s21;
	s30 =	sadd.s32 $0x160, s15;
	s29 =	sor.u32 $0x200, s16  }
0x70: {  	[hbm4b:s30+s3] =	stream.linear.scatter [tilespmem:s29], [sflag:$0x2], $0x80, $0x38;
	[tilespmem:$0xC80] =	vst v63  }
0x71: {  	s22 =	sor.u32 $0x300, s16;
	s17 =	sshll.u32 s20, $0x7;
	s25 =	sor.u32 $0x400, s16  }
0x72: {  	(v2sf) =	vpush v0, $0x9;
	[hbm4b:s23+s3] =	stream.linear.scatter [tilespmem:s22], [sflag:$0x2], $0x80, $0x38;
	[tilespmem:$0xC80] =	vst v63  }
0x73: {  	s17 =	sand.u32 $0x80, s17;
	s31 =	spop (v2sf);
	s26 =	sadd.s32 $0x260, s15  }
0x74: {  	[hbm4b:s26+s3] =	stream.linear.scatter [tilespmem:s25], [sflag:$0x2], $0x80, $0x38;
	[tilespmem:$0xC80] =	vst v63  }
0x75: {  	s24 =	sshll.u32 s31, $0xA;
	s28 =	sor.u32 $0x500, s16;
	s29 =	sadd.s32 $0x2E0, s15  }
0x76: {  	(v2sf) =	vpush v0, $0xA;
	[hbm4b:s29+s3] =	stream.linear.scatter [tilespmem:s28], [sflag:$0x2], $0x80, $0x38;
	[tilespmem:$0xC80] =	vst v63  }
0x77: {  	s19 =	sshll.u32 s31, $0x7;
	s31 =	sadd.s32 $0x360, s15;
	s30 =	sor.u32 $0x600, s16  }
0x78: {  	[hbm4b:s31+s3] =	stream.linear.scatter [tilespmem:s30], [sflag:$0x2], $0x80, $0x38;
	[tilespmem:$0xC80] =	vst v63  }
0x79: {  	s17 =	sor.u32 s17, s18;
	s16 =	sor.u32 $0x700, s16;
	s23 =	sadd.s32 $0x3E0, s15  }
0x7a: {  	[hbm4b:s23+s3] =	stream.linear.scatter [tilespmem:s16], [sflag:$0x2], $0x80, $0x38;
	[tilespmem:$0xC80] =	vst v63  }
0x7b: {  	s18 =	sor.u32 $0x100, s17;
	s21 =	sor.u32 $0x300, s17;
	s25 =	sadd.s32 $0x70, s15  }
0x7c: {  	[hbm4b:s25+s3] =	stream.linear.scatter [tilespmem:s17], [sflag:$0x2], $0x80, $0x38;
	[tilespmem:$0xC80] =	vst v63  }
0x7d: {  	s20 =	sand.u32 $0xFFFFF800, s24;
	s24 =	sand.u32 $0x80, s19;
	s26 =	sadd.s32 $0xF0, s15  }
0x7e: {  	[hbm4b:s26+s3] =	stream.linear.scatter [tilespmem:s18], [sflag:$0x2], $0x80, $0x38;
	[tilespmem:$0xC80] =	vst v63  }
0x7f: {  	s22 =	sadd.s32 $0x1F0, s15;
	s29 =	sor.u32 $0x200, s17;
	s30 =	sadd.s32 $0x170, s15  }
0x80: {  	[hbm4b:s30+s3] =	stream.linear.scatter [tilespmem:s29], [sflag:$0x2], $0x80, $0x38;
	[tilespmem:$0xC80] =	vst v63  }
0x81: {  	s16 =	sor.u32 s24, s20;
	s23 =	sor.u32 $0x400, s17;
	s28 =	spop (v2sf)  }
0x82: {  	(v2sf) =	vpush v0, $0xB;
	[hbm4b:s22+s3] =	stream.linear.scatter [tilespmem:s21], [sflag:$0x2], $0x80, $0x38;
	[tilespmem:$0xC80] =	vst v63  }
0x83: {  	s24 =	sadd.s32 $0x270, s15;
	s31 =	sshll.u32 s28, $0xA;
	s25 =	sor.u32 $0x500, s17  }
0x84: {  	[hbm4b:s24+s3] =	stream.linear.scatter [tilespmem:s23], [sflag:$0x2], $0x80, $0x38;
	[tilespmem:$0xC80] =	vst v63  }
0x85: {  	s19 =	sand.u32 $0xFFFFF800, s31;
	s31 =	spop (v2sf);
	s26 =	sadd.s32 $0x2F0, s15  }
0x86: {  	[hbm4b:s26+s3] =	stream.linear.scatter [tilespmem:s25], [sflag:$0x2], $0x80, $0x38;
	[tilespmem:$0xC80] =	vst v63  }
0x87: {  	s18 =	sshll.u32 s28, $0x7;
	s28 =	sor.u32 $0x600, s17;
	s29 =	sadd.s32 $0x370, s15  }
0x88: {  	[hbm4b:s29+s3] =	stream.linear.scatter [tilespmem:s28], [sflag:$0x2], $0x80, $0x38;
	[tilespmem:$0xC80] =	vst v63  }
0x89: {  	s17 =	sor.u32 $0x700, s17;
	s18 =	sand.u32 $0x80, s18;
	s30 =	sadd.s32 $0x3F0, s15  }
0x8a: {  	[hbm4b:s30+s3] =	stream.linear.scatter [tilespmem:s17], [sflag:$0x2], $0x80, $0x38;
	[tilespmem:$0xC80] =	vst v63  }
0x8b: {  	s22 =	sadd.s32 $0x400, s15;
	s23 =	sshll.u32 s31, $0xA;
	s24 =	sshll.u32 s31, $0x7  }
0x8c: {  	(v2sf) =	vpush v0, $0xC;
	[hbm4b:s22+s3] =	stream.linear.scatter [tilespmem:s16], [sflag:$0x2], $0x80, $0x38;
	[tilespmem:$0xC80] =	vst v63  }
0x8d: {  	s31 =	sadd.s32 $0x580, s15;
	s25 =	sadd.s32 $0x480, s15;
	s26 =	sor.u32 $0x100, s16  }
0x8e: {  	[hbm4b:s25+s3] =	stream.linear.scatter [tilespmem:s26], [sflag:$0x2], $0x80, $0x38;
	[tilespmem:$0xC80] =	vst v63  }
0x8f: {  	s28 =	sor.u32 $0x200, s16;
	s29 =	sadd.s32 $0x500, s15;
	s17 =	sor.u32 s18, s19  }
0x90: {  	[hbm4b:s29+s3] =	stream.linear.scatter [tilespmem:s28], [sflag:$0x2], $0x80, $0x38;
	[tilespmem:$0xC80] =	vst v63  }
0x91: {  	s19 =	sand.u32 $0xFFFFF800, s23;
	s20 =	spop (v2sf);
	s30 =	sor.u32 $0x300, s16  }
0x92: {  	[hbm4b:s31+s3] =	stream.linear.scatter [tilespmem:s30], [sflag:$0x2], $0x80, $0x38;
	[tilespmem:$0xC80] =	vst v63  }
0x93: {  	s18 =	sand.u32 $0x80, s24;
	s23 =	sor.u32 $0x400, s16;
	s24 =	sadd.s32 $0x600, s15  }
0x94: {  	[hbm4b:s24+s3] =	stream.linear.scatter [tilespmem:s23], [sflag:$0x2], $0x80, $0x38;
	[tilespmem:$0xC80] =	vst v63  }
0x95: {  	s19 =	sadd.s32 s19, s2;
	s25 =	sor.u32 $0x500, s16;
	s26 =	sadd.s32 $0x680, s15  }
0x96: {  	[hbm4b:s26+s3] =	stream.linear.scatter [tilespmem:s25], [sflag:$0x2], $0x80, $0x38;
	[tilespmem:$0xC80] =	vst v63  }
0x97: {  	s18 =	sadd.s32 s18, s19;
	s28 =	sor.u32 $0x600, s16;
	s29 =	sadd.s32 $0x700, s15  }
0x98: {  	(v2sf) =	vpush v0, $0xD;
	[hbm4b:s29+s3] =	stream.linear.scatter [tilespmem:s28], [sflag:$0x2], $0x80, $0x38;
	[tilespmem:$0xC80] =	vst v63  }
0x99: {  	s22 =	sshll.u32 s20, $0x7;
	s16 =	sor.u32 $0x700, s16;
	s31 =	sadd.s32 $0x780, s15  }
0x9a: {  	[hbm4b:s31+s3] =	stream.linear.scatter [tilespmem:s16], [sflag:$0x2], $0x80, $0x38;
	[tilespmem:$0xC80] =	vst v63  }
0x9b: {  	s21 =	spop (v2sf);
	s18 =	sshrl.u32 s18, $0x3;
	s23 =	sadd.s32 $0x410, s15  }
0x9c: {  	[hbm4b:s23+s3] =	stream.linear.scatter [tilespmem:s17], [sflag:$0x2], $0x80, $0x38;
	[tilespmem:$0xC80] =	vst v63  }
0x9d: {  	s30 =	sshll.u32 s20, $0xA;
	s25 =	sor.u32 $0x100, s17;
	s26 =	sadd.s32 $0x490, s15  }
0x9e: {  	[hbm4b:s26+s3] =	stream.linear.scatter [tilespmem:s25], [sflag:$0x2], $0x80, $0x38;
	[tilespmem:$0xC80] =	vst v63  }
0x9f: {  	s19 =	sand.u32 $0xFFFFF800, s30;
	s28 =	sor.u32 $0x200, s17;
	s29 =	sadd.s32 $0x510, s15  }
0xa0: {  	[hbm4b:s29+s3] =	stream.linear.scatter [tilespmem:s28], [sflag:$0x2], $0x80, $0x38;
	[tilespmem:$0xC80] =	vst v63  }
0xa1: {  	s30 =	sor.u32 $0x300, s17;
	s24 =	sand.u32 $0x80, s22;
	s31 =	sadd.s32 $0x590, s15  }
0xa2: {  	[hbm4b:s31+s3] =	stream.linear.scatter [tilespmem:s30], [sflag:$0x2], $0x80, $0x38;
	[tilespmem:$0xC80] =	vst v63  }
0xa3: {  	s19 =	sor.u32 s24, s19;
	s24 =	sadd.s32 $0x610, s15;
	s23 =	sor.u32 $0x400, s17  }
0xa4: {  	[hbm4b:s24+s3] =	stream.linear.scatter [tilespmem:s23], [sflag:$0x2], $0x80, $0x38;
	[tilespmem:$0xC80] =	vst v63  }
0xa5: {  	s22 =	sadd.s32 $0x790, s15;
	s25 =	sor.u32 $0x500, s17;
	s26 =	sadd.s32 $0x690, s15  }
0xa6: {  	[hbm4b:s26+s3] =	stream.linear.scatter [tilespmem:s25], [sflag:$0x2], $0x80, $0x38;
	[tilespmem:$0xC80] =	vst v63  }
0xa7: {  	s16 =	spop (v2sf);
	s29 =	sor.u32 $0x600, s17;
	s30 =	sadd.s32 $0x710, s15  }
0xa8: {  	[hbm4b:s30+s3] =	stream.linear.scatter [tilespmem:s29], [sflag:$0x2], $0x80, $0x38;
	[tilespmem:$0xC80] =	vst v63  }
0xa9: {  	s28 =	sadd.s32 $0x430, s15;
	s17 =	sor.u32 $0x700, s17;
	s31 =	sadd.s32 $0x420, s15  }
0xaa: {  	(v2sf) =	vpush v0, $0xE;
	[hbm4b:s22+s3] =	stream.linear.scatter [tilespmem:s17], [sflag:$0x2], $0x80, $0x38;
	[tilespmem:$0xC80] =	vst v63  }
0xab: {  	[hbm:s31@s6], [sflag:s10] =	dma.strided [spmem:s18@s11], $0x80, s9, $0x10   }
0xac: {  	[hbm4b:s28+s3] =	stream.linear.scatter [tilespmem:s19], [sflag:$0x2], $0x80, $0x38;
	[tilespmem:$0xC80] =	vst v63  }
0xad: {  	s24 =	sor.u32 $0x100, s19;
	s25 =	sadd.s32 $0x4B0, s15  }
0xae: {  	[hbm4b:s25+s3] =	stream.linear.scatter [tilespmem:s24], [sflag:$0x2], $0x80, $0x38;
	[tilespmem:$0xC80] =	vst v63  }
0xaf: {  	s26 =	sor.u32 $0x200, s19;
	s28 =	sadd.s32 $0x530, s15  }
0xb0: {  	[hbm4b:s28+s3] =	stream.linear.scatter [tilespmem:s26], [sflag:$0x2], $0x80, $0x38;
	[tilespmem:$0xC80] =	vst v63  }
0xb1: {  	s29 =	sor.u32 $0x300, s19;
	s30 =	sadd.s32 $0x5B0, s15  }
0xb2: {  	[hbm4b:s30+s3] =	stream.linear.scatter [tilespmem:s29], [sflag:$0x2], $0x80, $0x38;
	[tilespmem:$0xC80] =	vst v63  }
0xb3: {  	s20 =	sor.u32 $0x400, s19;
	s23 =	sshll.u32 s21, $0x7;
	s22 =	sadd.s32 $0x630, s15  }
0xb4: {  	[hbm4b:s22+s3] =	stream.linear.scatter [tilespmem:s20], [sflag:$0x2], $0x80, $0x38;
	[tilespmem:$0xC80] =	vst v63  }
0xb5: {  	s31 =	sshll.u32 s21, $0xA;
	s24 =	sor.u32 $0x500, s19;
	s25 =	sadd.s32 $0x6B0, s15  }
0xb6: {  	[hbm4b:s25+s3] =	stream.linear.scatter [tilespmem:s24], [sflag:$0x2], $0x80, $0x38;
	[tilespmem:$0xC80] =	vst v63  }
0xb7: {  	s18 =	sand.u32 $0x80, s23;
	s26 =	sor.u32 $0x600, s19;
	s28 =	sadd.s32 $0x730, s15  }
0xb8: {  	[hbm4b:s28+s3] =	stream.linear.scatter [tilespmem:s26], [sflag:$0x2], $0x80, $0x38;
	[tilespmem:$0xC80] =	vst v63  }
0xb9: {  	s17 =	sand.u32 $0xFFFFF800, s31;
	s19 =	sor.u32 $0x700, s19;
	s29 =	sadd.s32 $0x7B0, s15  }
0xba: {  	[hbm4b:s29+s3] =	stream.linear.scatter [tilespmem:s19], [sflag:$0x2], $0x80, $0x38;
	[tilespmem:$0xC80] =	vst v63  }
0xbb: {  	s17 =	sor.u32 s18, s17;
	s30 =	sadd.s32 $0x440, s15  }
0xbc: {  	[hbm4b:s30+s3] =	stream.linear.scatter [tilespmem:s17], [sflag:$0x2], $0x80, $0x38;
	[tilespmem:$0xC80] =	vst v63  }
0xbd: {  	s31 =	sadd.s32 $0x4C0, s15;
	s18 =	sor.u32 $0x100, s17  }
0xbe: {  	[hbm4b:s31+s3] =	stream.linear.scatter [tilespmem:s18], [sflag:$0x2], $0x80, $0x38;
	[tilespmem:$0xC80] =	vst v63  }
0xbf: {  	s21 =	sadd.s32 $0x540, s15;
	s20 =	sor.u32 $0x200, s17  }
0xc0: {  	[hbm4b:s21+s3] =	stream.linear.scatter [tilespmem:s20], [sflag:$0x2], $0x80, $0x38;
	[tilespmem:$0xC80] =	vst v63  }
0xc1: {  	s23 =	sadd.s32 $0x5C0, s15;
	s22 =	sor.u32 $0x300, s17  }
0xc2: {  	[hbm4b:s23+s3] =	stream.linear.scatter [tilespmem:s22], [sflag:$0x2], $0x80, $0x38;
	[tilespmem:$0xC80] =	vst v63  }
0xc3: {  	s24 =	sshll.u32 s16, $0xA;
	s25 =	sor.u32 $0x400, s17;
	s26 =	sadd.s32 $0x640, s15  }
0xc4: {  	[hbm4b:s26+s3] =	stream.linear.scatter [tilespmem:s25], [sflag:$0x2], $0x80, $0x38;
	[tilespmem:$0xC80] =	vst v63  }
0xc5: {  	s16 =	sshll.u32 s16, $0x7;
	s28 =	sor.u32 $0x500, s17;
	s29 =	sadd.s32 $0x6C0, s15  }
0xc6: {  	[hbm4b:s29+s3] =	stream.linear.scatter [tilespmem:s28], [sflag:$0x2], $0x80, $0x38;
	[tilespmem:$0xC80] =	vst v63  }
0xc7: {  	s16 =	sand.u32 $0x80, s16;
	s30 =	sor.u32 $0x600, s17;
	s31 =	sadd.s32 $0x740, s15  }
0xc8: {  	[hbm4b:s31+s3] =	stream.linear.scatter [tilespmem:s30], [sflag:$0x2], $0x80, $0x38;
	[tilespmem:$0xC80] =	vst v63  }
0xc9: {  	s17 =	sor.u32 $0x700, s17;
	s18 =	sand.u32 $0xFFFFF800, s24;
	s21 =	sadd.s32 $0x7C0, s15  }
0xca: {  	[hbm4b:s21+s3] =	stream.linear.scatter [tilespmem:s17], [sflag:$0x2], $0x80, $0x38;
	[tilespmem:$0xC80] =	vst v63  }
0xcb: {  	s16 =	sor.u32 s16, s18;
	s22 =	sadd.s32 $0x450, s15  }
0xcc: {  	[hbm4b:s22+s3] =	stream.linear.scatter [tilespmem:s16], [sflag:$0x2], $0x80, $0x38;
	[tilespmem:$0xC80] =	vst v63  }
0xcd: {  	s24 =	sadd.s32 $0x4D0, s15;
	s23 =	sor.u32 $0x100, s16  }
0xce: {  	[hbm4b:s24+s3] =	stream.linear.scatter [tilespmem:s23], [sflag:$0x2], $0x80, $0x38;
	[tilespmem:$0xC80] =	vst v63  }
0xcf: {  	s25 =	sor.u32 $0x200, s16;
	s26 =	sadd.s32 $0x550, s15  }
0xd0: {  	[hbm4b:s26+s3] =	stream.linear.scatter [tilespmem:s25], [sflag:$0x2], $0x80, $0x38;
	[tilespmem:$0xC80] =	vst v63  }
0xd1: {  	s28 =	spop (v2sf);
	s29 =	sor.u32 $0x300, s16;
	s30 =	sadd.s32 $0x5D0, s15  }
0xd2: {  	(v2sf) =	vpush v0, $0xF;
	[hbm4b:s30+s3] =	stream.linear.scatter [tilespmem:s29], [sflag:$0x2], $0x80, $0x38;
	[tilespmem:$0xC80] =	vst v63  }
0xd3: {  	s31 =	sshll.u32 s28, $0xA;
	s21 =	sor.u32 $0x400, s16;
	s22 =	sadd.s32 $0x650, s15  }
0xd4: {  	[hbm4b:s22+s3] =	stream.linear.scatter [tilespmem:s21], [sflag:$0x2], $0x80, $0x38;
	[tilespmem:$0xC80] =	vst v63  }
0xd5: {  	s18 =	sand.u32 $0xFFFFF800, s31;
	s23 =	sor.u32 $0x500, s16;
	s24 =	sadd.s32 $0x6D0, s15  }
0xd6: {  	[hbm4b:s24+s3] =	stream.linear.scatter [tilespmem:s23], [sflag:$0x2], $0x80, $0x38;
	[tilespmem:$0xC80] =	vst v63  }
0xd7: {  	s17 =	sshll.u32 s28, $0x7;
	s25 =	sor.u32 $0x600, s16;
	s26 =	sadd.s32 $0x750, s15  }
0xd8: {  	[hbm4b:s26+s3] =	stream.linear.scatter [tilespmem:s25], [sflag:$0x2], $0x80, $0x38;
	[tilespmem:$0xC80] =	vst v63  }
0xd9: {  	s28 =	sadd.s32 $0x7D0, s15;
	s17 =	sand.u32 $0x80, s17;
	s16 =	sor.u32 $0x700, s16  }
0xda: {  	[hbm4b:s28+s3] =	stream.linear.scatter [tilespmem:s16], [sflag:$0x2], $0x80, $0x38;
	[tilespmem:$0xC80] =	vst v63  }
0xdb: {  	s17 =	sor.u32 s17, s18;
	s29 =	sadd.s32 $0x460, s15  }
0xdc: {  	[hbm4b:s29+s3] =	stream.linear.scatter [tilespmem:s17], [sflag:$0x2], $0x80, $0x38;
	[tilespmem:$0xC80] =	vst v63  }
0xdd: {  	s31 =	sadd.s32 $0x4E0, s15;
	s30 =	sor.u32 $0x100, s17  }
0xde: {  	[hbm4b:s31+s3] =	stream.linear.scatter [tilespmem:s30], [sflag:$0x2], $0x80, $0x38;
	[tilespmem:$0xC80] =	vst v63  }
0xdf: {  	s20 =	sadd.s32 $0x560, s15;
	s19 =	sor.u32 $0x200, s17  }
0xe0: {  	[hbm4b:s20+s3] =	stream.linear.scatter [tilespmem:s19], [sflag:$0x2], $0x80, $0x38;
	[tilespmem:$0xC80] =	vst v63  }
0xe1: {  	s22 =	sor.u32 $0x300, s17;
	s21 =	spop (v2sf);
	s23 =	sadd.s32 $0x5E0, s15  }
0xe2: {  	[hbm4b:s23+s3] =	stream.linear.scatter [tilespmem:s22], [sflag:$0x2], $0x80, $0x38;
	[tilespmem:$0xC80] =	vst v63  }
0xe3: {  	s24 =	sshll.u32 s21, $0xA;
	s25 =	sor.u32 $0x400, s17;
	s26 =	sadd.s32 $0x660, s15  }
0xe4: {  	[hbm4b:s26+s3] =	stream.linear.scatter [tilespmem:s25], [sflag:$0x2], $0x80, $0x38;
	[tilespmem:$0xC80] =	vst v63  }
0xe5: {  	s18 =	sand.u32 $0xFFFFF800, s24;
	s28 =	sor.u32 $0x500, s17;
	s29 =	sadd.s32 $0x6E0, s15  }
0xe6: {  	[hbm4b:s29+s3] =	stream.linear.scatter [tilespmem:s28], [sflag:$0x2], $0x80, $0x38;
	[tilespmem:$0xC80] =	vst v63  }
0xe7: {  	s16 =	sshll.u32 s21, $0x7;
	s30 =	sor.u32 $0x600, s17;
	s31 =	sadd.s32 $0x760, s15  }
0xe8: {  	[hbm4b:s31+s3] =	stream.linear.scatter [tilespmem:s30], [sflag:$0x2], $0x80, $0x38;
	[tilespmem:$0xC80] =	vst v63  }
0xe9: {  	s16 =	sand.u32 $0x80, s16;
	s17 =	sor.u32 $0x700, s17;
	s20 =	sadd.s32 $0x7E0, s15  }
0xea: {  	[hbm4b:s20+s3] =	stream.linear.scatter [tilespmem:s17], [sflag:$0x2], $0x80, $0x38;
	[tilespmem:$0xC80] =	vst v63  }
0xeb: {  	s21 =	sadd.s32 $0x470, s15;
	s18 =	sor.u32 s16, s18  }
0xec: {  	[hbm4b:s21+s3] =	stream.linear.scatter [tilespmem:s18], [sflag:$0x2], $0x80, $0x38;
	[tilespmem:$0xC80] =	vst v63  }
0xed: {  	s16 =	sor.u32 $0x100, s18;
	s22 =	sadd.s32 $0x4F0, s15  }
0xee: {  	[hbm4b:s22+s3] =	stream.linear.scatter [tilespmem:s16], [sflag:$0x2], $0x80, $0x38;
	[tilespmem:$0xC80] =	vst v63  }
0xef: {  	s24 =	sadd.s32 $0x570, s15;
	s19 =	sor.u32 $0x600, s18;
	s23 =	sor.u32 $0x200, s18  }
0xf0: {  	[hbm4b:s24+s3] =	stream.linear.scatter [tilespmem:s23], [sflag:$0x2], $0x80, $0x38;
	[tilespmem:$0xC80] =	vst v63  }
0xf1: {  	s25 =	sor.u32 $0x300, s18;
	s26 =	sadd.s32 $0x5F0, s15;
	s28 =	sor.u32 $0x400, s18  }
0xf2: {  	[hbm4b:s26+s3] =	stream.linear.scatter [tilespmem:s25], [sflag:$0x2], $0x80, $0x38;
	[tilespmem:$0xC80] =	vst v63  }
0xf3: {  	s29 =	sadd.s32 $0x670, s15;
	s30 =	sor.u32 $0x500, s18;
	s31 =	sadd.s32 $0x6F0, s15  }
0xf4: {  	[hbm4b:s29+s3] =	stream.linear.scatter [tilespmem:s28], [sflag:$0x2], $0x80, $0x38;
	[tilespmem:$0xC80] =	vst v63  }
0xf5: {  	s20 =	sadd.s32 $0x770, s15;
	s17 =	simm.s32 $0x800;
	s16 =	simm.s32 $0x800  }
0xf6: {  	[hbm4b:s31+s3] =	stream.linear.scatter [tilespmem:s30], [sflag:$0x2], $0x80, $0x38;
	[tilespmem:$0xC80] =	vst v63  }
.LBB2_2:
0xf7: {  	[hbm4b:s20+s3] =	stream.linear.scatter [tilespmem:s19], [sflag:$0x2], $0x80, $0x38;
	[tilespmem:$0xC80] =	vst v63  }
0xf8: {  	s18 =	sor.u32 $0x700, s18;
	s15 =	sadd.s32 $0x7F0, s15;
	s17 =	sadd.s32 $0x10, s17  }
0xf9: {  	[hbm4b:s15+s3] =	stream.linear.scatter [tilespmem:s18], [sflag:$0x2], $0x80, $0x38;
	[tilespmem:$0xC80] =	vst v63  }
0xfa: {  	v0 =	vld [tilespmem:s17+$0x0];
	_ =	sdelay $0x4  }
0xfb: {  	(v2sf) =	vpush v0, $0x0;
	_ =	sdelay $0x1  }
0xfc: {  	(v2sf) =	vpush v0, $0x1;
	_ =	sdelay $0x1  }
0xfd: {  	(v2sf) =	vpush v0, $0x2;
	_ =	sdelay $0x9  }
0xfe: {  	s25 =	smov.u32 s16;
	s26 =	rddreg [dreg:$0x5]  }
0xff: {  	s15 =	sadd.s32 s25, s26;
	s28 =	spop (v2sf)  }
0x100: {  	s23 =	sadd.s32 $0x10, s15;
	s24 =	sadd.s32 $0x90, s15;
	s29 =	sshll.u32 s28, $0xA  }
0x101: {  	s18 =	sshll.u32 s28, $0x7;
	s21 =	spop (v2sf);
	(v2sf) =	vpush v0, $0x3;
	s20 =	sand.u32 $0xFFFFF800, s29  }
0x102: {  	s22 =	sshll.u32 s21, $0xA;
	s21 =	sshll.u32 s21, $0x7;
	s18 =	sand.u32 $0x80, s18  }
0x103: {  	s31 =	spop (v2sf);
	s29 =	sadd.s32 $0x190, s15;
	s20 =	sadd.s32 s20, s2  }
0x104: {  	s21 =	sand.u32 $0x80, s21;
	s30 =	sand.u32 $0xFFFFF800, s22;
	s18 =	sadd.s32 s18, s20  }
0x105: {  	s25 =	sshll.u32 s31, $0xA;
	s19 =	sor.u32 s21, s30;
	s18 =	sshrl.u32 s18, $0x3  }
0x106: {  	[hbm:s15@s6], [sflag:s10] =	dma.strided [spmem:s18@s11], $0x80, s9, $0x10   }
0x107: {  	[hbm4b:s23+s3] =	stream.linear.scatter [tilespmem:s19], [sflag:$0x2], $0x80, $0x38;
	(v2sf) =	vpush v0, $0x4;
	[tilespmem:$0xC80] =	vst v63  }
0x108: {  	s22 =	sshll.u32 s31, $0x7;
	s31 =	sadd.s32 $0x210, s15;
	s26 =	sor.u32 $0x100, s19  }
0x109: {  	[hbm4b:s24+s3] =	stream.linear.scatter [tilespmem:s26], [sflag:$0x2], $0x80, $0x38;
	[tilespmem:$0xC80] =	vst v63  }
0x10a: {  	s21 =	sand.u32 $0xFFFFF800, s25;
	s28 =	sor.u32 $0x200, s19;
	s23 =	sadd.s32 $0x110, s15  }
0x10b: {  	[hbm4b:s23+s3] =	stream.linear.scatter [tilespmem:s28], [sflag:$0x2], $0x80, $0x38;
	[tilespmem:$0xC80] =	vst v63  }
0x10c: {  	s22 =	sand.u32 $0x80, s22;
	s25 =	sadd.s32 $0x290, s15;
	s30 =	sor.u32 $0x300, s19  }
0x10d: {  	[hbm4b:s29+s3] =	stream.linear.scatter [tilespmem:s30], [sflag:$0x2], $0x80, $0x38;
	[tilespmem:$0xC80] =	vst v63  }
0x10e: {  	s21 =	sor.u32 s22, s21;
	s24 =	sor.u32 $0x400, s19;
	s26 =	sor.u32 $0x500, s19  }
0x10f: {  	[hbm4b:s31+s3] =	stream.linear.scatter [tilespmem:s24], [sflag:$0x2], $0x80, $0x38;
	[tilespmem:$0xC80] =	vst v63  }
0x110: {  	s28 =	sadd.s32 $0x310, s15;
	s30 =	sor.u32 $0x600, s19;
	s29 =	spop (v2sf)  }
0x111: {  	[hbm4b:s25+s3] =	stream.linear.scatter [tilespmem:s26], [sflag:$0x2], $0x80, $0x38;
	[tilespmem:$0xC80] =	vst v63  }
0x112: {  	s31 =	sadd.s32 $0x390, s15;
	s24 =	sshll.u32 s29, $0xA;
	s25 =	sor.u32 $0x700, s19  }
0x113: {  	[hbm4b:s28+s3] =	stream.linear.scatter [tilespmem:s30], [sflag:$0x2], $0x80, $0x38;
	[tilespmem:$0xC80] =	vst v63  }
0x114: {  	s26 =	sadd.s32 $0x20, s15;
	s22 =	sshll.u32 s29, $0x7;
	s20 =	sand.u32 $0xFFFFF800, s24  }
0x115: {  	[hbm4b:s31+s3] =	stream.linear.scatter [tilespmem:s25], [sflag:$0x2], $0x80, $0x38;
	[tilespmem:$0xC80] =	vst v63  }
0x116: {  	s28 =	sadd.s32 $0xA0, s15;
	s30 =	sor.u32 $0x100, s21;
	s29 =	spop (v2sf)  }
0x117: {  	(v2sf) =	vpush v0, $0x5;
	[hbm4b:s26+s3] =	stream.linear.scatter [tilespmem:s21], [sflag:$0x2], $0x80, $0x38;
	[tilespmem:$0xC80] =	vst v63  }
0x118: {  	s31 =	sadd.s32 $0x120, s15;
	s25 =	sshll.u32 s29, $0xA;
	s26 =	sor.u32 $0x200, s21  }
0x119: {  	[hbm4b:s28+s3] =	stream.linear.scatter [tilespmem:s30], [sflag:$0x2], $0x80, $0x38;
	[tilespmem:$0xC80] =	vst v63  }
0x11a: {  	(v2sf) =	vpush v0, $0x6;
	s23 =	sshll.u32 s29, $0x7;
	s29 =	sor.u32 $0x300, s21;
	s19 =	sand.u32 $0xFFFFF800, s25  }
0x11b: {  	[hbm4b:s31+s3] =	stream.linear.scatter [tilespmem:s26], [sflag:$0x2], $0x80, $0x38;
	[tilespmem:$0xC80] =	vst v63  }
0x11c: {  	s23 =	sand.u32 $0x80, s23;
	s25 =	sor.u32 $0x500, s21;
	s28 =	sadd.s32 $0x1A0, s15  }
0x11d: {  	[hbm4b:s28+s3] =	stream.linear.scatter [tilespmem:s29], [sflag:$0x2], $0x80, $0x38;
	[tilespmem:$0xC80] =	vst v63  }
0x11e: {  	s30 =	sor.u32 $0x400, s21;
	s18 =	sor.u32 s23, s19;
	s26 =	sadd.s32 $0x220, s15  }
0x11f: {  	[hbm4b:s26+s3] =	stream.linear.scatter [tilespmem:s30], [sflag:$0x2], $0x80, $0x38;
	[tilespmem:$0xC80] =	vst v63  }
0x120: {  	s31 =	sadd.s32 $0x2A0, s15;
	s28 =	sadd.s32 $0x320, s15;
	s30 =	sand.u32 $0x80, s22  }
0x121: {  	[hbm4b:s31+s3] =	stream.linear.scatter [tilespmem:s25], [sflag:$0x2], $0x80, $0x38;
	[tilespmem:$0xC80] =	vst v63  }
0x122: {  	s29 =	sadd.s32 $0x3A0, s15;
	s26 =	sor.u32 $0x600, s21;
	s20 =	sor.u32 s30, s20  }
0x123: {  	[hbm4b:s28+s3] =	stream.linear.scatter [tilespmem:s26], [sflag:$0x2], $0x80, $0x38;
	[tilespmem:$0xC80] =	vst v63  }
0x124: {  	s21 =	sor.u32 $0x700, s21;
	s31 =	sadd.s32 $0x30, s15;
	s30 =	sor.u32 $0x200, s20  }
0x125: {  	[hbm4b:s29+s3] =	stream.linear.scatter [tilespmem:s21], [sflag:$0x2], $0x80, $0x38;
	[tilespmem:$0xC80] =	vst v63  }
0x126: {  	s22 =	sor.u32 $0x500, s20;
	s26 =	sadd.s32 $0xB0, s15;
	s28 =	spop (v2sf)  }
0x127: {  	s21 =	sor.u32 $0x100, s20;
	s29 =	sshll.u32 s28, $0xA;
	s23 =	sshll.u32 s28, $0x7  }
0x128: {  	(v2sf) =	vpush v0, $0x7;
	[hbm4b:s31+s3] =	stream.linear.scatter [tilespmem:s20], [sflag:$0x2], $0x80, $0x38;
	[tilespmem:$0xC80] =	vst v63  }
0x129: {  	s25 =	spop (v2sf);
	s28 =	sadd.s32 $0x1B0, s15;
	s24 =	sand.u32 $0xFFFFF800, s29  }
0x12a: {  	[hbm4b:s26+s3] =	stream.linear.scatter [tilespmem:s21], [sflag:$0x2], $0x80, $0x38;
	[tilespmem:$0xC80] =	vst v63  }
0x12b: {  	s31 =	sadd.s32 $0x130, s15;
	s29 =	sor.u32 $0x400, s20;
	s24 =	sadd.s32 s24, s2  }
0x12c: {  	[hbm4b:s31+s3] =	stream.linear.scatter [tilespmem:s30], [sflag:$0x2], $0x80, $0x38;
	[tilespmem:$0xC80] =	vst v63  }
0x12d: {  	s21 =	sand.u32 $0x80, s23;
	s23 =	sshll.u32 s25, $0xA;
	s26 =	sor.u32 $0x300, s20  }
0x12e: {  	[hbm4b:s28+s3] =	stream.linear.scatter [tilespmem:s26], [sflag:$0x2], $0x80, $0x38;
	[tilespmem:$0xC80] =	vst v63  }
0x12f: {  	s21 =	sadd.s32 s21, s24;
	s23 =	sand.u32 $0xFFFFF800, s23;
	s30 =	sadd.s32 $0x230, s15  }
0x130: {  	[hbm4b:s30+s3] =	stream.linear.scatter [tilespmem:s29], [sflag:$0x2], $0x80, $0x38;
	[tilespmem:$0xC80] =	vst v63  }
0x131: {  	s31 =	sshll.u32 s25, $0x7;
	s25 =	sadd.s32 $0x2B0, s15;
	s21 =	sshrl.u32 s21, $0x3  }
0x132: {  	[hbm4b:s25+s3] =	stream.linear.scatter [tilespmem:s22], [sflag:$0x2], $0x80, $0x38;
	[tilespmem:$0xC80] =	vst v63  }
0x133: {  	s24 =	sand.u32 $0x80, s31;
	s26 =	sor.u32 $0x600, s20;
	s28 =	sadd.s32 $0x330, s15  }
0x134: {  	[hbm4b:s28+s3] =	stream.linear.scatter [tilespmem:s26], [sflag:$0x2], $0x80, $0x38;
	[tilespmem:$0xC80] =	vst v63  }
0x135: {  	s29 =	sor.u32 $0x700, s20;
	s30 =	sadd.s32 $0x3B0, s15;
	s25 =	sadd.s32 $0x40, s15  }
0x136: {  	[hbm4b:s30+s3] =	stream.linear.scatter [tilespmem:s29], [sflag:$0x2], $0x80, $0x38;
	[tilespmem:$0xC80] =	vst v63  }
0x137: {  	s22 =	sor.u32 s24, s23;
	s24 =	sor.u32 $0x300, s18;
	s31 =	spop (v2sf)  }
0x138: {  	[hbm4b:s25+s3] =	stream.linear.scatter [tilespmem:s18], [sflag:$0x2], $0x80, $0x38;
	[tilespmem:$0xC80] =	vst v63  }
0x139: {  	s28 =	sor.u32 $0x100, s18;
	s26 =	sshll.u32 s31, $0xA;
	s29 =	sadd.s32 $0xC0, s15  }
0x13a: {  	[hbm4b:s29+s3] =	stream.linear.scatter [tilespmem:s28], [sflag:$0x2], $0x80, $0x38;
	[tilespmem:$0xC80] =	vst v63  }
0x13b: {  	s20 =	sshll.u32 s31, $0x7;
	s30 =	sor.u32 $0x200, s18;
	s31 =	sadd.s32 $0x140, s15  }
0x13c: {  	[hbm4b:s31+s3] =	stream.linear.scatter [tilespmem:s30], [sflag:$0x2], $0x80, $0x38;
	[tilespmem:$0xC80] =	vst v63  }
0x13d: {  	s23 =	sadd.s32 $0x160, s15;
	s19 =	sand.u32 $0xFFFFF800, s26;
	s26 =	sadd.s32 $0x1C0, s15  }
0x13e: {  	(v2sf) =	vpush v0, $0x8;
	[hbm4b:s26+s3] =	stream.linear.scatter [tilespmem:s24], [sflag:$0x2], $0x80, $0x38;
	[tilespmem:$0xC80] =	vst v63  }
0x13f: {  	s20 =	sand.u32 $0x80, s20;
	s28 =	sor.u32 $0x400, s18;
	s29 =	sadd.s32 $0x240, s15  }
0x140: {  	[hbm4b:s29+s3] =	stream.linear.scatter [tilespmem:s28], [sflag:$0x2], $0x80, $0x38;
	[tilespmem:$0xC80] =	vst v63  }
0x141: {  	s20 =	sor.u32 s20, s19;
	s30 =	sor.u32 $0x500, s18;
	s31 =	sadd.s32 $0x2C0, s15  }
0x142: {  	[hbm4b:s31+s3] =	stream.linear.scatter [tilespmem:s30], [sflag:$0x2], $0x80, $0x38;
	[tilespmem:$0xC80] =	vst v63  }
0x143: {  	s24 =	sor.u32 $0x600, s18;
	s18 =	sor.u32 $0x700, s18;
	s30 =	sadd.s32 $0x340, s15  }
0x144: {  	[hbm4b:s30+s3] =	stream.linear.scatter [tilespmem:s24], [sflag:$0x2], $0x80, $0x38;
	[tilespmem:$0xC80] =	vst v63  }
0x145: {  	s28 =	sadd.s32 $0x60, s15;
	s29 =	sadd.s32 $0x50, s15;
	s31 =	sadd.s32 $0x3C0, s15  }
0x146: {  	[hbm4b:s31+s3] =	stream.linear.scatter [tilespmem:s18], [sflag:$0x2], $0x80, $0x38;
	[tilespmem:$0xC80] =	vst v63  }
0x147: {  	[hbm:s29@s6], [sflag:s10] =	dma.strided [spmem:s21@s11], $0x80, s9, $0x10   }
0x148: {  	[hbm4b:s28+s3] =	stream.linear.scatter [tilespmem:s22], [sflag:$0x2], $0x80, $0x38;
	(v2sf) =	vpush v0, $0x9;
	[tilespmem:$0xC80] =	vst v63  }
0x149: {  	s25 =	sor.u32 $0x100, s22;
	s19 =	sor.u32 $0x100, s20;
	s26 =	sadd.s32 $0xE0, s15  }
0x14a: {  	[hbm4b:s26+s3] =	stream.linear.scatter [tilespmem:s25], [sflag:$0x2], $0x80, $0x38;
	[tilespmem:$0xC80] =	vst v63  }
0x14b: {  	s30 =	sor.u32 $0x400, s22;
	s31 =	sadd.s32 $0x260, s15;
	s21 =	sor.u32 $0x200, s22  }
0x14c: {  	[hbm4b:s23+s3] =	stream.linear.scatter [tilespmem:s21], [sflag:$0x2], $0x80, $0x38;
	[tilespmem:$0xC80] =	vst v63  }
0x14d: {  	s24 =	spop (v2sf);
	s28 =	sadd.s32 $0x1E0, s15;
	s26 =	sor.u32 $0x300, s22  }
0x14e: {  	[hbm4b:s28+s3] =	stream.linear.scatter [tilespmem:s26], [sflag:$0x2], $0x80, $0x38;
	[tilespmem:$0xC80] =	vst v63  }
0x14f: {  	s29 =	sshll.u32 s24, $0xA;
	s25 =	sor.u32 $0x500, s22;
	s23 =	sshll.u32 s24, $0x7  }
0x150: {  	[hbm4b:s31+s3] =	stream.linear.scatter [tilespmem:s30], [sflag:$0x2], $0x80, $0x38;
	[tilespmem:$0xC80] =	vst v63  }
0x151: {  	s23 =	sand.u32 $0x80, s23;
	s28 =	sadd.s32 $0x2E0, s15;
	s26 =	sand.u32 $0xFFFFF800, s29  }
0x152: {  	[hbm4b:s28+s3] =	stream.linear.scatter [tilespmem:s25], [sflag:$0x2], $0x80, $0x38;
	[tilespmem:$0xC80] =	vst v63  }
0x153: {  	s29 =	sor.u32 $0x600, s22;
	s22 =	sor.u32 $0x700, s22;
	s30 =	sadd.s32 $0x360, s15  }
0x154: {  	(v2sf) =	vpush v0, $0xA;
	[hbm4b:s30+s3] =	stream.linear.scatter [tilespmem:s29], [sflag:$0x2], $0x80, $0x38;
	[tilespmem:$0xC80] =	vst v63  }
0x155: {  	s18 =	sor.u32 s23, s26;
	s26 =	sadd.s32 $0x1F0, s15;
	s31 =	sadd.s32 $0x3E0, s15  }
0x156: {  	[hbm4b:s31+s3] =	stream.linear.scatter [tilespmem:s22], [sflag:$0x2], $0x80, $0x38;
	[tilespmem:$0xC80] =	vst v63  }
0x157: {  	s25 =	sadd.s32 $0x70, s15;
	s28 =	sadd.s32 $0xF0, s15;
	s23 =	spop (v2sf)  }
0x158: {  	(v2sf) =	vpush v0, $0xB;
	[hbm4b:s25+s3] =	stream.linear.scatter [tilespmem:s20], [sflag:$0x2], $0x80, $0x38;
	[tilespmem:$0xC80] =	vst v63  }
0x159: {  	s29 =	sor.u32 $0x200, s20;
	s30 =	sadd.s32 $0x170, s15;
	s31 =	sshll.u32 s23, $0xA  }
0x15a: {  	[hbm4b:s28+s3] =	stream.linear.scatter [tilespmem:s19], [sflag:$0x2], $0x80, $0x38;
	[tilespmem:$0xC80] =	vst v63  }
0x15b: {  	s22 =	sor.u32 $0x300, s20;
	s23 =	sshll.u32 s23, $0x7;
	s25 =	sand.u32 $0xFFFFF800, s31  }
0x15c: {  	[hbm4b:s30+s3] =	stream.linear.scatter [tilespmem:s29], [sflag:$0x2], $0x80, $0x38;
	[tilespmem:$0xC80] =	vst v63  }
0x15d: {  	s31 =	sadd.s32 $0x2F0, s15;
	s23 =	sand.u32 $0x80, s23;
	s28 =	sor.u32 $0x400, s20  }
0x15e: {  	[hbm4b:s26+s3] =	stream.linear.scatter [tilespmem:s22], [sflag:$0x2], $0x80, $0x38;
	[tilespmem:$0xC80] =	vst v63  }
0x15f: {  	s19 =	sor.u32 s23, s25;
	s25 =	sadd.s32 $0x400, s15;
	s29 =	sadd.s32 $0x270, s15  }
0x160: {  	[hbm4b:s29+s3] =	stream.linear.scatter [tilespmem:s28], [sflag:$0x2], $0x80, $0x38;
	[tilespmem:$0xC80] =	vst v63  }
0x161: {  	s30 =	sor.u32 $0x500, s20;
	s28 =	sor.u32 $0x600, s20;
	s29 =	sadd.s32 $0x370, s15  }
0x162: {  	[hbm4b:s31+s3] =	stream.linear.scatter [tilespmem:s30], [sflag:$0x2], $0x80, $0x38;
	[tilespmem:$0xC80] =	vst v63  }
0x163: {  	s20 =	sor.u32 $0x700, s20;
	s30 =	sadd.s32 $0x3F0, s15;
	s31 =	spop (v2sf)  }
0x164: {  	[hbm4b:s29+s3] =	stream.linear.scatter [tilespmem:s28], [sflag:$0x2], $0x80, $0x38;
	[tilespmem:$0xC80] =	vst v63  }
0x165: {  	s26 =	sshll.u32 s31, $0xA;
	s24 =	sshll.u32 s31, $0x7;
	s28 =	sadd.s32 $0x480, s15  }
0x166: {  	[hbm4b:s30+s3] =	stream.linear.scatter [tilespmem:s20], [sflag:$0x2], $0x80, $0x38;
	[tilespmem:$0xC80] =	vst v63  }
0x167: {  	s23 =	sand.u32 $0xFFFFF800, s26;
	s31 =	sand.u32 $0x80, s24;
	s29 =	spop (v2sf)  }
0x168: {  	(v2sf) =	vpush v0, $0xC;
	[hbm4b:s25+s3] =	stream.linear.scatter [tilespmem:s18], [sflag:$0x2], $0x80, $0x38;
	[tilespmem:$0xC80] =	vst v63  }
0x169: {  	s23 =	sadd.s32 s23, s2;
	s30 =	sor.u32 $0x100, s18;
	s24 =	sshll.u32 s29, $0xA  }
0x16a: {  	[hbm4b:s28+s3] =	stream.linear.scatter [tilespmem:s30], [sflag:$0x2], $0x80, $0x38;
	[tilespmem:$0xC80] =	vst v63  }
0x16b: {  	s26 =	sshll.u32 s29, $0x7;
	s29 =	sadd.s32 $0x500, s15;
	s28 =	sor.u32 $0x200, s18  }
0x16c: {  	[hbm4b:s29+s3] =	stream.linear.scatter [tilespmem:s28], [sflag:$0x2], $0x80, $0x38;
	[tilespmem:$0xC80] =	vst v63  }
0x16d: {  	s21 =	sadd.s32 s31, s23;
	s31 =	sadd.s32 $0x580, s15;
	s30 =	sor.u32 $0x300, s18  }
0x16e: {  	[hbm4b:s31+s3] =	stream.linear.scatter [tilespmem:s30], [sflag:$0x2], $0x80, $0x38;
	[tilespmem:$0xC80] =	vst v63  }
0x16f: {  	s22 =	sor.u32 $0x400, s18;
	s23 =	sand.u32 $0x80, s26;
	s26 =	sadd.s32 $0x600, s15  }
0x170: {  	[hbm4b:s26+s3] =	stream.linear.scatter [tilespmem:s22], [sflag:$0x2], $0x80, $0x38;
	[tilespmem:$0xC80] =	vst v63  }
0x171: {  	s28 =	sor.u32 $0x500, s18;
	s29 =	sadd.s32 $0x680, s15  }
0x172: {  	(v2sf) =	vpush v0, $0xD;
	[hbm4b:s29+s3] =	stream.linear.scatter [tilespmem:s28], [sflag:$0x2], $0x80, $0x38;
	[tilespmem:$0xC80] =	vst v63  }
0x173: {  	s30 =	sor.u32 $0x600, s18;
	s31 =	sadd.s32 $0x700, s15  }
0x174: {  	[hbm4b:s31+s3] =	stream.linear.scatter [tilespmem:s30], [sflag:$0x2], $0x80, $0x38;
	[tilespmem:$0xC80] =	vst v63  }
0x175: {  	s21 =	sshrl.u32 s21, $0x3;
	s18 =	sor.u32 $0x700, s18;
	s29 =	sadd.s32 $0x780, s15  }
0x176: {  	[hbm4b:s29+s3] =	stream.linear.scatter [tilespmem:s18], [sflag:$0x2], $0x80, $0x38;
	[tilespmem:$0xC80] =	vst v63  }
0x177: {  	s25 =	sand.u32 $0xFFFFF800, s24;
	s24 =	spop (v2sf);
	s30 =	sadd.s32 $0x410, s15  }
0x178: {  	[hbm4b:s30+s3] =	stream.linear.scatter [tilespmem:s19], [sflag:$0x2], $0x80, $0x38;
	[tilespmem:$0xC80] =	vst v63  }
0x179: {  	s20 =	sshll.u32 s24, $0x7;
	s31 =	sor.u32 $0x100, s19;
	s29 =	sadd.s32 $0x490, s15  }
0x17a: {  	[hbm4b:s29+s3] =	stream.linear.scatter [tilespmem:s31], [sflag:$0x2], $0x80, $0x38;
	[tilespmem:$0xC80] =	vst v63  }
0x17b: {  	s26 =	sshll.u32 s24, $0xA;
	s30 =	sor.u32 $0x200, s19;
	s31 =	sadd.s32 $0x510, s15  }
0x17c: {  	[hbm4b:s31+s3] =	stream.linear.scatter [tilespmem:s30], [sflag:$0x2], $0x80, $0x38;
	[tilespmem:$0xC80] =	vst v63  }
0x17d: {  	s24 =	sor.u32 s23, s25;
	s25 =	sor.u32 $0x300, s19;
	s29 =	sadd.s32 $0x590, s15  }
0x17e: {  	[hbm4b:s29+s3] =	stream.linear.scatter [tilespmem:s25], [sflag:$0x2], $0x80, $0x38;
	[tilespmem:$0xC80] =	vst v63  }
0x17f: {  	s22 =	sand.u32 $0xFFFFF800, s26;
	s30 =	sor.u32 $0x400, s19;
	s31 =	sadd.s32 $0x610, s15  }
0x180: {  	[hbm4b:s31+s3] =	stream.linear.scatter [tilespmem:s30], [sflag:$0x2], $0x80, $0x38;
	[tilespmem:$0xC80] =	vst v63  }
0x181: {  	s26 =	spop (v2sf);
	s25 =	sor.u32 $0x500, s19;
	s31 =	sadd.s32 $0x690, s15  }
0x182: {  	(v2sf) =	vpush v0, $0xE;
	[hbm4b:s31+s3] =	stream.linear.scatter [tilespmem:s25], [sflag:$0x2], $0x80, $0x38;
	[tilespmem:$0xC80] =	vst v63  }
0x183: {  	s23 =	sor.u32 $0x600, s19;
	s19 =	sor.u32 $0x700, s19;
	s25 =	sadd.s32 $0x710, s15  }
0x184: {  	[hbm4b:s25+s3] =	stream.linear.scatter [tilespmem:s23], [sflag:$0x2], $0x80, $0x38;
	[tilespmem:$0xC80] =	vst v63  }
0x185: {  	s30 =	sadd.s32 $0x430, s15;
	s31 =	sadd.s32 $0x420, s15;
	s25 =	sadd.s32 $0x790, s15  }
0x186: {  	[hbm4b:s25+s3] =	stream.linear.scatter [tilespmem:s19], [sflag:$0x2], $0x80, $0x38;
	[tilespmem:$0xC80] =	vst v63  }
0x187: {  	[hbm:s31@s6], [sflag:s10] =	dma.strided [spmem:s21@s11], $0x80, s9, $0x10   }
0x188: {  	[hbm4b:s30+s3] =	stream.linear.scatter [tilespmem:s24], [sflag:$0x2], $0x80, $0x38;
	[tilespmem:$0xC80] =	vst v63  }
0x189: {  	s28 =	sor.u32 $0x100, s24;
	s29 =	sadd.s32 $0x4B0, s15  }
0x18a: {  	[hbm4b:s29+s3] =	stream.linear.scatter [tilespmem:s28], [sflag:$0x2], $0x80, $0x38;
	[tilespmem:$0xC80] =	vst v63  }
0x18b: {  	s18 =	sshll.u32 s26, $0xA;
	s25 =	sadd.s32 $0x530, s15;
	s21 =	sor.u32 $0x200, s24  }
0x18c: {  	(v2sf) =	vpush v0, $0xF;
	[hbm4b:s25+s3] =	stream.linear.scatter [tilespmem:s21], [sflag:$0x2], $0x80, $0x38;
	[tilespmem:$0xC80] =	vst v63  }
0x18d: {  	s23 =	sshll.u32 s26, $0x7;
	s26 =	sor.u32 $0x300, s24;
	s31 =	sadd.s32 $0x5B0, s15  }
0x18e: {  	[hbm4b:s31+s3] =	stream.linear.scatter [tilespmem:s26], [sflag:$0x2], $0x80, $0x38;
	[tilespmem:$0xC80] =	vst v63  }
0x18f: {  	s20 =	sand.u32 $0x80, s20;
	s30 =	sadd.s32 $0x630, s15;
	s21 =	sor.u32 $0x400, s24  }
0x190: {  	[hbm4b:s30+s3] =	stream.linear.scatter [tilespmem:s21], [sflag:$0x2], $0x80, $0x38;
	[tilespmem:$0xC80] =	vst v63  }
0x191: {  	s28 =	spop (v2sf);
	s26 =	sor.u32 $0x500, s24;
	s31 =	sadd.s32 $0x6B0, s15  }
0x192: {  	[hbm4b:s31+s3] =	stream.linear.scatter [tilespmem:s26], [sflag:$0x2], $0x80, $0x38;
	[tilespmem:$0xC80] =	vst v63  }
0x193: {  	s19 =	sor.u32 $0x600, s24;
	s29 =	sshll.u32 s28, $0xA;
	s30 =	sadd.s32 $0x730, s15  }
0x194: {  	[hbm4b:s30+s3] =	stream.linear.scatter [tilespmem:s19], [sflag:$0x2], $0x80, $0x38;
	[tilespmem:$0xC80] =	vst v63  }
0x195: {  	s28 =	sshll.u32 s28, $0x7;
	s24 =	sor.u32 $0x700, s24;
	s31 =	sadd.s32 $0x7B0, s15  }
0x196: {  	[hbm4b:s31+s3] =	stream.linear.scatter [tilespmem:s24], [sflag:$0x2], $0x80, $0x38;
	[tilespmem:$0xC80] =	vst v63  }
0x197: {  	s21 =	sand.u32 $0xFFFFF800, s29;
	s29 =	sadd.s32 $0x440, s15;
	s26 =	sor.u32 s20, s22  }
0x198: {  	[hbm4b:s29+s3] =	stream.linear.scatter [tilespmem:s26], [sflag:$0x2], $0x80, $0x38;
	[tilespmem:$0xC80] =	vst v63  }
0x199: {  	s22 =	sand.u32 $0x80, s28;
	s20 =	sor.u32 $0x100, s26;
	s30 =	sadd.s32 $0x4C0, s15  }
0x19a: {  	[hbm4b:s30+s3] =	stream.linear.scatter [tilespmem:s20], [sflag:$0x2], $0x80, $0x38;
	[tilespmem:$0xC80] =	vst v63  }
0x19b: {  	s28 =	sor.u32 $0x200, s26;
	s31 =	sadd.s32 $0x540, s15;
	s25 =	spop (v2sf)  }
0x19c: {  	[hbm4b:s31+s3] =	stream.linear.scatter [tilespmem:s28], [sflag:$0x2], $0x80, $0x38;
	[tilespmem:$0xC80] =	vst v63  }
0x19d: {  	s24 =	sor.u32 $0x300, s26;
	s19 =	sshll.u32 s25, $0xA;
	s30 =	sadd.s32 $0x5C0, s15  }
0x19e: {  	[hbm4b:s30+s3] =	stream.linear.scatter [tilespmem:s24], [sflag:$0x2], $0x80, $0x38;
	[tilespmem:$0xC80] =	vst v63  }
0x19f: {  	s20 =	sshll.u32 s25, $0x7;
	s25 =	sor.u32 $0x400, s26;
	s31 =	sadd.s32 $0x640, s15  }
0x1a0: {  	[hbm4b:s31+s3] =	stream.linear.scatter [tilespmem:s25], [sflag:$0x2], $0x80, $0x38;
	[tilespmem:$0xC80] =	vst v63  }
0x1a1: {  	s24 =	sor.u32 $0x500, s26;
	s30 =	sadd.s32 $0x6C0, s15  }
0x1a2: {  	[hbm4b:s30+s3] =	stream.linear.scatter [tilespmem:s24], [sflag:$0x2], $0x80, $0x38;
	[tilespmem:$0xC80] =	vst v63  }
0x1a3: {  	s18 =	sand.u32 $0xFFFFF800, s18;
	s25 =	sor.u32 $0x600, s26;
	s31 =	sadd.s32 $0x740, s15  }
0x1a4: {  	[hbm4b:s31+s3] =	stream.linear.scatter [tilespmem:s25], [sflag:$0x2], $0x80, $0x38;
	[tilespmem:$0xC80] =	vst v63  }
0x1a5: {  	s23 =	sand.u32 $0x80, s23;
	s29 =	sor.u32 $0x700, s26;
	s30 =	sadd.s32 $0x7C0, s15  }
0x1a6: {  	[hbm4b:s30+s3] =	stream.linear.scatter [tilespmem:s29], [sflag:$0x2], $0x80, $0x38;
	[tilespmem:$0xC80] =	vst v63  }
0x1a7: {  	s18 =	sor.u32 s23, s18;
	s31 =	sadd.s32 $0x450, s15  }
0x1a8: {  	[hbm4b:s31+s3] =	stream.linear.scatter [tilespmem:s18], [sflag:$0x2], $0x80, $0x38;
	[tilespmem:$0xC80] =	vst v63  }
0x1a9: {  	s23 =	sor.u32 $0x100, s18;
	s26 =	sadd.s32 $0x4D0, s15  }
0x1aa: {  	[hbm4b:s26+s3] =	stream.linear.scatter [tilespmem:s23], [sflag:$0x2], $0x80, $0x38;
	[tilespmem:$0xC80] =	vst v63  }
0x1ab: {  	s28 =	sor.u32 $0x200, s18;
	s29 =	sadd.s32 $0x550, s15  }
0x1ac: {  	[hbm4b:s29+s3] =	stream.linear.scatter [tilespmem:s28], [sflag:$0x2], $0x80, $0x38;
	[tilespmem:$0xC80] =	vst v63  }
0x1ad: {  	s30 =	sor.u32 $0x300, s18;
	s31 =	sadd.s32 $0x5D0, s15  }
0x1ae: {  	[hbm4b:s31+s3] =	stream.linear.scatter [tilespmem:s30], [sflag:$0x2], $0x80, $0x38;
	[tilespmem:$0xC80] =	vst v63  }
0x1af: {  	s28 =	sor.u32 $0x400, s18;
	s29 =	sadd.s32 $0x650, s15  }
0x1b0: {  	[hbm4b:s29+s3] =	stream.linear.scatter [tilespmem:s28], [sflag:$0x2], $0x80, $0x38;
	[tilespmem:$0xC80] =	vst v63  }
0x1b1: {  	s30 =	sor.u32 $0x500, s18;
	s31 =	sadd.s32 $0x6D0, s15  }
0x1b2: {  	[hbm4b:s31+s3] =	stream.linear.scatter [tilespmem:s30], [sflag:$0x2], $0x80, $0x38;
	[tilespmem:$0xC80] =	vst v63  }
0x1b3: {  	s28 =	sor.u32 $0x600, s18;
	s29 =	sadd.s32 $0x750, s15  }
0x1b4: {  	[hbm4b:s29+s3] =	stream.linear.scatter [tilespmem:s28], [sflag:$0x2], $0x80, $0x38;
	[tilespmem:$0xC80] =	vst v63  }
0x1b5: {  	s18 =	sor.u32 $0x700, s18;
	s30 =	sadd.s32 $0x7D0, s15  }
0x1b6: {  	[hbm4b:s30+s3] =	stream.linear.scatter [tilespmem:s18], [sflag:$0x2], $0x80, $0x38;
	[tilespmem:$0xC80] =	vst v63  }
0x1b7: {  	s21 =	sor.u32 s22, s21;
	s31 =	sadd.s32 $0x460, s15  }
0x1b8: {  	[hbm4b:s31+s3] =	stream.linear.scatter [tilespmem:s21], [sflag:$0x2], $0x80, $0x38;
	[tilespmem:$0xC80] =	vst v63  }
0x1b9: {  	s22 =	sor.u32 $0x100, s21;
	s23 =	sadd.s32 $0x4E0, s15  }
0x1ba: {  	[hbm4b:s23+s3] =	stream.linear.scatter [tilespmem:s22], [sflag:$0x2], $0x80, $0x38;
	[tilespmem:$0xC80] =	vst v63  }
0x1bb: {  	s25 =	sor.u32 $0x200, s21;
	s26 =	sadd.s32 $0x560, s15  }
0x1bc: {  	[hbm4b:s26+s3] =	stream.linear.scatter [tilespmem:s25], [sflag:$0x2], $0x80, $0x38;
	[tilespmem:$0xC80] =	vst v63  }
0x1bd: {  	s28 =	sor.u32 $0x300, s21;
	s29 =	sadd.s32 $0x5E0, s15  }
0x1be: {  	[hbm4b:s29+s3] =	stream.linear.scatter [tilespmem:s28], [sflag:$0x2], $0x80, $0x38;
	[tilespmem:$0xC80] =	vst v63  }
0x1bf: {  	s30 =	sor.u32 $0x400, s21;
	s31 =	sadd.s32 $0x660, s15  }
0x1c0: {  	[hbm4b:s31+s3] =	stream.linear.scatter [tilespmem:s30], [sflag:$0x2], $0x80, $0x38;
	[tilespmem:$0xC80] =	vst v63  }
0x1c1: {  	s22 =	sor.u32 $0x500, s21;
	s25 =	sadd.s32 $0x6E0, s15  }
0x1c2: {  	[hbm4b:s25+s3] =	stream.linear.scatter [tilespmem:s22], [sflag:$0x2], $0x80, $0x38;
	[tilespmem:$0xC80] =	vst v63  }
0x1c3: {  	s20 =	sand.u32 $0x80, s20;
	s26 =	sor.u32 $0x600, s21;
	s28 =	sadd.s32 $0x760, s15  }
0x1c4: {  	[hbm4b:s28+s3] =	stream.linear.scatter [tilespmem:s26], [sflag:$0x2], $0x80, $0x38;
	[tilespmem:$0xC80] =	vst v63  }
0x1c5: {  	s21 =	sor.u32 $0x700, s21;
	s29 =	sadd.s32 $0x7E0, s15;
	s30 =	sand.u32 $0xFFFFF800, s19  }
0x1c6: {  	[hbm4b:s29+s3] =	stream.linear.scatter [tilespmem:s21], [sflag:$0x2], $0x80, $0x38;
	[tilespmem:$0xC80] =	vst v63  }
0x1c7: {  	s31 =	sadd.s32 $0x470, s15;
	s18 =	sor.u32 s20, s30  }
0x1c8: {  	[hbm4b:s31+s3] =	stream.linear.scatter [tilespmem:s18], [sflag:$0x2], $0x80, $0x38;
	[tilespmem:$0xC80] =	vst v63  }
0x1c9: {  	s20 =	sor.u32 $0x100, s18;
	s22 =	sadd.s32 $0x4F0, s15  }
0x1ca: {  	[hbm4b:s22+s3] =	stream.linear.scatter [tilespmem:s20], [sflag:$0x2], $0x80, $0x38;
	[tilespmem:$0xC80] =	vst v63  }
0x1cb: {  	s24 =	sadd.s32 $0x570, s15;
	s23 =	sor.u32 $0x200, s18  }
0x1cc: {  	[hbm4b:s24+s3] =	stream.linear.scatter [tilespmem:s23], [sflag:$0x2], $0x80, $0x38;
	[tilespmem:$0xC80] =	vst v63  }
0x1cd: {  	p1 =	sne.s32 s16, $0x1F800;
	s25 =	sor.u32 $0x300, s18;
	s26 =	sadd.s32 $0x5F0, s15  }
0x1ce: {  	[hbm4b:s26+s3] =	stream.linear.scatter [tilespmem:s25], [sflag:$0x2], $0x80, $0x38;
	[tilespmem:$0xC80] =	vst v63  }
.Ltmp0:
0x1cf: {  	s16 =	sadd.s32 $0x800, s16;
	(pc) =	sbr.rel @p1 .LBB2_2-.Ltmp0, $4  }
0x1d0: {  	s30 =	sor.u32 $0x500, s18;
	s28 =	sor.u32 $0x400, s18;
	s29 =	sadd.s32 $0x670, s15  }
0x1d1: {  	[hbm4b:s29+s3] =	stream.linear.scatter [tilespmem:s28], [sflag:$0x2], $0x80, $0x38;
	[tilespmem:$0xC80] =	vst v63  }
0x1d2: {  	s19 =	sor.u32 $0x600, s18;
	s31 =	sadd.s32 $0x6F0, s15;
	s20 =	sadd.s32 $0x770, s15  }
0x1d3: {  	[hbm4b:s31+s3] =	stream.linear.scatter [tilespmem:s30], [sflag:$0x2], $0x80, $0x38;
	[tilespmem:$0xC80] =	vst v63  }
0x1d4: {  	[hbm4b:s20+s3] =	stream.linear.scatter [tilespmem:s19], [sflag:$0x2], $0x80, $0x38;
	[tilespmem:$0xC80] =	vst v63  }
0x1d5: {  	s16 =	sor.u32 $0x700, s18;
	s15 =	sadd.s32 $0x7F0, s15;
	s14 =	sadd.s32 $0x1, s14  }
0x1d6: {  	[hbm4b:s15+s3] =	stream.linear.scatter [tilespmem:s16], [sflag:$0x2], $0x80, $0x38;
	[tilespmem:$0xC80] =	vst v63  }
0x1d7: {  	p1 =	sne.s32 s14, s5;
	_ =	swait.ge [sflag:s12], $0x6000  }
.Ltmp1:
0x1d8: {  	[sflag:s12] =	ssyncset.done $0x0;
	(pc) =	sbr.rel @p1 .LBB2_1-.Ltmp1, $4  }
0x1d9: {  	[sflag:s12] =	ssyncadd.s32 $0xFFFFA000  }
0x1da: {  	_ =	swait.ge [sflag:s13], $0x1A000  }
0x1db: {  	[sflag:s13] =	ssyncset.done $0x0  }
0x1dc: {  	[sflag:s13] =	ssyncadd.s32 $0xFFFE6000  }
0x1dd: {  	_ =	sfence.sel $0x180000  }
0x1de: {  	[bflag:$0x0] =	sbarrier.arrive $0xFFFF  }
0x1df: {  	_ =	strace $0x90000047  }
0x1e0: {  	s0 =	sadd.s32 @!p0 $0x100000, s0;
	[bflag:$0x2] =	sbarrier.arrive $0xFFFF  }
0x1e1: {  	[sflag:s0] =	ssyncadd.tile.s32 @!p0 $0x1;
	_ =	shalt  }
.Lfunc_end2:
_tile_overlayer_lowered:
.L_overlay_start_2:
0x1e2: {  	(tag) =	ssettag $0x2  }
0x1e3: {  	s0 =	rddreg [dreg:$0x0];
	s2 =	stileid.u32  }
0x1e4: {  	s1 =	rddreg [dreg:$0x1];
	p0 =	sne.s32 s2, $0x0  }
0x1e5: {  	s3 =	rddreg [dreg:$0x2];
	[bflag:$0x3] =	sbarrier.arrive $0xFFFF;
	s2 =	simm.s32 @!p0 $0x1C04  }
0x1e6: {  	[timem:s3], [sflag:s2] =	dma.local @!p0 [hbm:s0], s1  }
0x1e7: {  	s0 =	simm.s32 @!p0 $0x4  }
0x1e8: {  	_ =	swait.ge @!p0 [sflag:s0], s1  }
0x1e9: {  	s1 =	ssub.s32 @!p0 $0x0, s1;
	[sflag:s0] =	ssyncset.done @!p0 $0x0  }
0x1ea: {  	[sflag:s0] =	ssyncadd.s32 @!p0 s1  }
0x1eb: {  	[bflag:$0x3] =	sbarrier.arrive $0xFFFF  }
0x1ec: {  	_ =	shalt  }

</sc_bundles>
